<compile_context>
chip_gen: v7x
topology: tpu7x:2x2x1
jax: 0.10.2.dev20260603
libtpu: 0.0.44.dev20260713+nightly
codegen_flags: <defaults>
</compile_context>

<pallas_src>
import functools

import jax
import jax.numpy as jnp
from jax import lax
from jax.experimental import pallas as pl
from jax.experimental.pallas import tpu as pltpu
from jax.experimental.pallas import tpu_sc as plsc

NC, NS, L = 2, 16, 16

H = 128
ND0 = 65536
ND1 = 4096
E0 = 524288
E1 = 65536

RPP = 8192
NPASS = 4
WE0 = E0 // NS
HS = WE0 // 2
FC = 128
CMAX = HS + FC
GROW = RPP
DEGB0 = RPP + 8
ACCR0 = DEGB0 + 64
DEGB1 = ND1
ACCR1 = DEGB1 + 32
_CP = pltpu.CompilerParams(needs_layout_passes=False)

_mesh = plsc.VectorSubcoreMesh(
    core_axis_name="c", subcore_axis_name="s", num_cores=NC, num_subcores=NS
)


def _zero_rows(buf, rows):
    per = buf.shape[1] // L

    def body(i, _):
        buf[i // per, pl.ds((i % per) * L, L)] = jnp.zeros((L,), jnp.float32)
        return 0

    lax.fori_loop(0, rows * per, body, 0)


@functools.partial(
    pl.kernel,
    out_type=(
        jax.ShapeDtypeStruct((ND0, H), jnp.float32),
        jax.ShapeDtypeStruct((ND0 // H, H), jnp.float32),
        jax.ShapeDtypeStruct((ND0, H), jnp.float32),
    ),
    mesh=_mesh,
    compiler_params=_CP,
    scratch_types=[
        pltpu.VMEM((CMAX,), jnp.int32),
        pltpu.VMEM((FC, H), jnp.float32),
        pltpu.VMEM((FC,), jnp.int32),
        pltpu.VMEM((FC,), jnp.int32),
        pltpu.VMEM((1024,), jnp.int32),
        pltpu.VMEM((1024,), jnp.int32),
        pltpu.VMEM((64, H), jnp.float32),
        pltpu.VMEM((8, H), jnp.float32),
        pltpu.VMEM((1, FC), jnp.int32),
        pltpu.VMEM((1, 64), jnp.int32),
        pltpu.VMEM_SHARED((ACCR0, H), jnp.float32),
        pltpu.SemaphoreType.DMA,
        pltpu.SemaphoreType.DMA,
    ],
)
def _sc1(input_nodes, src0, dst0, emb, summed, deg, hself,
         cpk, rowA, idxA, sstage, srcb, dstb,
         deg2d, zbuf, dstage, i64,
         acc, semT, semR):
    cid = lax.axis_index("c")
    sid = lax.axis_index("s")

    _zero_rows(zbuf, 8)
    for t in range(4):
        i64[0, pl.ds(t * L, L)] = lax.iota(jnp.int32, L) + (DEGB0 + t * L)

    w = cid * NS + sid
    hbase = w * (ND0 // (NC * NS))

    def phase_h(j, _):
        b = hbase + j * FC
        pltpu.sync_copy(input_nodes.at[pl.ds(b, FC)], idxA)
        pltpu.async_copy(emb.at[idxA], rowA, semR).wait()
        pltpu.sync_copy(rowA, hself.at[pl.ds(b, FC)])
        return 0

    lax.fori_loop(0, (ND0 // (NC * NS)) // FC, phase_h, 0)

    def one_pass(p, _):
        rtar = p * NC + cid
        gbase = rtar * RPP

        def z1(i, _):
            pltpu.sync_copy(zbuf, acc.at[pl.ds(sid * 512 + i * 8, 8)])
            return 0

        lax.fori_loop(0, 512 // 8, z1, 0)

        @pl.when(sid == 0)
        def _():
            def zd(i, _):
                pltpu.sync_copy(zbuf, acc.at[pl.ds(DEGB0 + i * 8, 8)])
                return 0

            lax.fori_loop(0, 64 // 8, zd, 0)

        _zero_rows(deg2d, 64)
        plsc.subcore_barrier()

        def half(hf, _):
            def macro(m, n):
                eb = sid * WE0 + hf * HS + m * 1024
                pltpu.sync_copy(src0.at[pl.ds(eb, 1024)], srcb)
                pltpu.sync_copy(dst0.at[pl.ds(eb, 1024)], dstb)

                def step(k, n):
                    s = srcb[pl.ds(k * L, L)]
                    d = dstb[pl.ds(k * L, L)]
                    msk = lax.shift_right_logical(d, 13) == rtar
                    local = lax.bitwise_and(d, RPP - 1)
                    plsc.addupdate_scatter(
                        deg2d,
                        [lax.shift_right_logical(local, 7),
                         lax.bitwise_and(local, H - 1)],
                        jnp.ones((L,), jnp.float32), mask=msk)
                    ranks = plsc.cumsum(msk.astype(jnp.int32))
                    pos = jnp.maximum(n + ranks - 1, 0)
                    pk = lax.bitwise_or(lax.shift_left(local, 18), s)
                    plsc.store_scatter(cpk, [pos], pk, mask=msk)
                    return n + jnp.sum(msk.astype(jnp.int32))

                return lax.fori_loop(0, 1024 // L, step, n)

            n = lax.fori_loop(0, HS // 1024, macro, jnp.int32(0))

            iot = lax.iota(jnp.int32, L)
            for t in range(FC // L):
                plsc.store_scatter(cpk, [n + t * L + iot],
                                   jnp.full((L,), GROW << 18, jnp.int32))

            nch = (n + FC - 1) // FC

            def flush(i, _):
                off = i * FC
                for t in range(FC // L):
                    pk = cpk[pl.ds(off + t * L, L)]
                    sstage[pl.ds(t * L, L)] = lax.bitwise_and(pk, (1 << 18) - 1)
                    dstage[0, pl.ds(t * L, L)] = lax.shift_right_logical(pk, 18)
                pltpu.async_copy(input_nodes.at[sstage], idxA, semT).wait()
                pltpu.async_copy(emb.at[idxA], rowA, semR).wait()
                pltpu.sync_copy(rowA, acc.at[dstage.at[0]], add=True)
                return 0

            lax.fori_loop(0, nch, flush, 0)
            return 0

        lax.fori_loop(0, 2, half, 0)

        pltpu.sync_copy(deg2d, acc.at[i64.at[0]], add=True)
        plsc.subcore_barrier()

        pltpu.sync_copy(acc.at[pl.ds(sid * 512, 512)],
                        summed.at[pl.ds(gbase + sid * 512, 512)])

        @pl.when(sid == 0)
        def _():
            pltpu.sync_copy(acc.at[pl.ds(DEGB0, 64)],
                            deg.at[pl.ds(rtar * 64, 64)])

        plsc.subcore_barrier()
        return 0

    lax.fori_loop(0, NPASS, one_pass, 0)


@functools.partial(
    pl.kernel,
    out_type=(
        jax.ShapeDtypeStruct((NC, ND1, H), jnp.float32),
        jax.ShapeDtypeStruct((NC, ND1 // H, H), jnp.float32),
    ),
    mesh=_mesh,
    compiler_params=_CP,
    scratch_types=[
        pltpu.VMEM((2048,), jnp.int32),
        pltpu.VMEM((2048,), jnp.int32),
        pltpu.VMEM((128, H), jnp.float32),
        pltpu.VMEM((32, H), jnp.float32),
        pltpu.VMEM((8, H), jnp.float32),
        pltpu.VMEM((1, 128), jnp.int32),
        pltpu.VMEM((1, 32), jnp.int32),
        pltpu.VMEM_SHARED((ACCR1, H), jnp.float32),
        pltpu.SemaphoreType.DMA,
    ],
)
def _sc2(h0, src1, dst1, summed1, deg1,
         srcb, dstb, rowA, deg2d, zbuf, dstage, i32r, acc, semR):
    cid = lax.axis_index("c")
    sid = lax.axis_index("s")

    _zero_rows(zbuf, 8)
    _zero_rows(deg2d, 32)
    for t in range(2):
        i32r[0, pl.ds(t * L, L)] = lax.iota(jnp.int32, L) + (DEGB1 + t * L)

    def z1(i, _):
        pltpu.sync_copy(zbuf, acc.at[pl.ds(sid * 256 + i * 8, 8)])
        return 0

    lax.fori_loop(0, 256 // 8, z1, 0)

    @pl.when(sid == 0)
    def _():
        def zd(i, _):
            pltpu.sync_copy(zbuf, acc.at[pl.ds(DEGB1 + i * 8, 8)])
            return 0

        lax.fori_loop(0, 32 // 8, zd, 0)

    plsc.subcore_barrier()

    w = cid * NS + sid
    eb = w * (E1 // (NC * NS))
    pltpu.sync_copy(src1.at[pl.ds(eb, 2048)], srcb)
    pltpu.sync_copy(dst1.at[pl.ds(eb, 2048)], dstb)

    def degcount(k, _):
        d = dstb[pl.ds(k * L, L)]
        plsc.addupdate_scatter(
            deg2d,
            [lax.shift_right_logical(d, 7), lax.bitwise_and(d, H - 1)],
            jnp.ones((L,), jnp.float32))
        return 0

    lax.fori_loop(0, 2048 // L, degcount, 0)

    def chunk(k, _):
        off = k * 128
        pltpu.async_copy(h0.at[srcb.at[pl.ds(off, 128)]], rowA, semR).wait()
        for t in range(8):
            dstage[0, pl.ds(t * L, L)] = dstb[pl.ds(off + t * L, L)]
        pltpu.sync_copy(rowA, acc.at[dstage.at[0]], add=True)
        return 0

    lax.fori_loop(0, 2048 // 128, chunk, 0)
    pltpu.sync_copy(deg2d, acc.at[i32r.at[0]], add=True)
    plsc.subcore_barrier()

    pltpu.sync_copy(acc.at[pl.ds(sid * 256, 256)],
                    summed1.at[cid, pl.ds(sid * 256, 256)])

    @pl.when(sid == 0)
    def _():
        pltpu.sync_copy(acc.at[pl.ds(DEGB1, 32)], deg1.at[cid])


def _tc1_body(s_ref, d_ref, hs_ref, ws_ref, wn_ref, bs_ref, bn_ref, o_ref):
    neigh = s_ref[...] / jnp.maximum(d_ref[...], 1.0)
    dn = (((1,), (1,)), ((), ()))
    acc = lax.dot_general(hs_ref[...], ws_ref[...], dn,
                          preferred_element_type=jnp.float32)
    acc = acc + lax.dot_general(neigh, wn_ref[...], dn,
                                preferred_element_type=jnp.float32)
    o_ref[...] = jnp.maximum(acc + bs_ref[...] + bn_ref[...], 0.0)


def _tc2_body(hs_ref, s1_ref, d1_ref, ws_ref, wn_ref, wo_ref,
              bs_ref, bn_ref, bo_ref, o_ref):
    dg = d1_ref[0] + d1_ref[1]
    neigh = (s1_ref[0] + s1_ref[1]) / jnp.maximum(dg, 1.0)
    dn = (((1,), (1,)), ((), ()))
    h1 = lax.dot_general(hs_ref[...], ws_ref[...], dn,
                         preferred_element_type=jnp.float32)
    h1 = h1 + lax.dot_general(neigh, wn_ref[...], dn,
                              preferred_element_type=jnp.float32)
    h1 = h1 + bs_ref[...] + bn_ref[...]
    o_ref[...] = lax.dot_general(h1, wo_ref[...], dn,
                                 preferred_element_type=jnp.float32) + bo_ref[...]


_BLK = 2048


def _full(shape):
    return pl.BlockSpec(shape, lambda i: tuple(0 for _ in shape))


def kernel(input_nodes, src0, dst0, src1, dst1, emb,
           Ws0, bs0, Wn0, bn0, Ws1, bs1, Wn1, bn1, W_out, b_out):
    summed0, deg0, hself0 = _sc1(input_nodes, src0, dst0, emb)

    h0 = pl.pallas_call(
        _tc1_body,
        grid=(ND0 // _BLK,),
        in_specs=[
            pl.BlockSpec((_BLK, H), lambda i: (i, 0)),
            pl.BlockSpec((_BLK, 1), lambda i: (i, 0)),
            pl.BlockSpec((_BLK, H), lambda i: (i, 0)),
            _full((H, H)),
            _full((H, H)),
            _full((1, H)),
            _full((1, H)),
        ],
        out_specs=pl.BlockSpec((_BLK, H), lambda i: (i, 0)),
        out_shape=jax.ShapeDtypeStruct((ND0, H), jnp.float32),
    )(summed0, deg0.reshape(ND0, 1), hself0, Ws0, Wn0,
      bs0.reshape(1, H), bn0.reshape(1, H))

    summed1, deg1 = _sc2(h0, src1, dst1)

    logits = pl.pallas_call(
        _tc2_body,
        grid=(ND1 // _BLK,),
        in_specs=[
            pl.BlockSpec((_BLK, H), lambda i: (i, 0)),
            pl.BlockSpec((NC, _BLK, H), lambda i: (0, i, 0)),
            pl.BlockSpec((NC, _BLK, 1), lambda i: (0, i, 0)),
            _full((H, H)),
            _full((H, H)),
            _full((H, H)),
            _full((1, H)),
            _full((1, H)),
            _full((1, H)),
        ],
        out_specs=pl.BlockSpec((_BLK, H), lambda i: (i, 0)),
        out_shape=jax.ShapeDtypeStruct((ND1, H), jnp.float32),
    )(h0, summed1, deg1.reshape(NC, ND1, 1), Ws1, Wn1, W_out,
      bs1.reshape(1, H), bn1.reshape(1, H), b_out.reshape(1, H))

    return logits

# --- scband reference (transcript-rebuilt; emitter-appended) ---
"""Pipeline reference for scband-graph-sage-45294725104183 (READ-ONLY COPY).

The authoritative reference and input builder live on the scoring server;
editing this copy changes nothing except your own understanding.
"""

import jax, jax.numpy as jnp
import numpy as np

NUM_NODES = 100000
H = 128
OUT = 128
N_SRC0 = 262144
N_DST0 = 65536
E0 = 524288
N_SRC1 = 65536
N_DST1 = 4096
E1 = 65536


def _xavier(key, shape):
    fan_out, fan_in = shape[0], shape[1]
    limit = float(np.sqrt(6.0 / (fan_in + fan_out)))
    return jax.random.uniform(key, shape, jnp.float32, -limit, limit)


def setup_inputs(seed: int = 0):
    key = jax.random.key(seed)
    ks = jax.random.split(key, 16)
    inp = {}
    inp["input_nodes"] = jax.random.randint(ks[0], (N_SRC0,), 0, NUM_NODES, dtype=jnp.int32)
    inp["src0"] = jax.random.randint(ks[1], (E0,), 0, N_SRC0, dtype=jnp.int32)
    inp["dst0"] = jax.random.randint(ks[2], (E0,), 0, N_DST0, dtype=jnp.int32)
    inp["src1"] = jax.random.randint(ks[3], (E1,), 0, N_SRC1, dtype=jnp.int32)
    inp["dst1"] = jax.random.randint(ks[4], (E1,), 0, N_DST1, dtype=jnp.int32)
    inp["emb"] = _xavier(ks[5], (NUM_NODES, H))
    inp["Ws0"] = _xavier(ks[6], (H, H))
    inp["bs0"] = jnp.zeros((H,), jnp.float32)
    inp["Wn0"] = _xavier(ks[7], (H, H))
    inp["bn0"] = jnp.zeros((H,), jnp.float32)
    inp["Ws1"] = _xavier(ks[8], (H, H))
    inp["bs1"] = jnp.zeros((H,), jnp.float32)
    inp["Wn1"] = _xavier(ks[9], (H, H))
    inp["bn1"] = jnp.zeros((H,), jnp.float32)
    inp["W_out"] = _xavier(ks[10], (OUT, H))
    inp["b_out"] = jnp.zeros((OUT,), jnp.float32)
    return inp


def _sage_layer(h, src, dst, n_dst, Ws, bs, Wn, bn):
    # DGL block convention: the first n_dst src nodes are the dst nodes.
    msgs = jnp.take(h, src, axis=0)
    summed = jax.ops.segment_sum(msgs, dst, num_segments=n_dst)
    deg = jax.ops.segment_sum(jnp.ones((src.shape[0], 1), h.dtype), dst, num_segments=n_dst)
    neigh = summed / jnp.maximum(deg, 1.0)
    h_self = h[:n_dst]
    return h_self @ Ws.T + bs + neigh @ Wn.T + bn


def reference(input_nodes, src0, dst0, src1, dst1, emb, Ws0, bs0, Wn0, bn0, Ws1, bs1, Wn1, bn1, W_out, b_out):
    h = jnp.take(emb, input_nodes, axis=0)
    h = _sage_layer(h, src0, dst0, N_DST0, Ws0, bs0, Wn0, bn0)
    h = jax.nn.relu(h)  # dropout p=0.0 -> identity
    h = _sage_layer(h, src1, dst1, N_DST1, Ws1, bs1, Wn1, bn1)
    logits = h @ W_out.T + b_out
    return logits

if __name__ == "__main__":
    import jax
    _d = setup_inputs()
    print(jax.jit(kernel)(*tuple(_d.values())))

</pallas_src>

<mosaic_0001>
#map = affine_map<(d0, d1) -> (0, 0)>
#map1 = affine_map<(d0, d1) -> (0)>
#map2 = affine_map<(d0, d1) -> (0, 0, 0)>
module attributes {stable_mosaic.version = 14 : i64} {
  func.func @_sc2(%arg0: i32, %arg1: i32, %arg2: memref<65536x128xf32, #tpu.memory_space<hbm>>, %arg3: memref<65536xi32, #tpu.memory_space<hbm>>, %arg4: memref<65536xi32, #tpu.memory_space<hbm>>, %arg5: memref<2x4096x128xf32, #tpu.memory_space<hbm>>, %arg6: memref<2x32x128xf32, #tpu.memory_space<hbm>>, %arg7: memref<2048xi32, #tpu.memory_space<vmem>>, %arg8: memref<2048xi32, #tpu.memory_space<vmem>>, %arg9: memref<128x128xf32, #tpu.memory_space<vmem>>, %arg10: memref<32x128xf32, #tpu.memory_space<vmem>>, %arg11: memref<8x128xf32, #tpu.memory_space<vmem>>, %arg12: memref<1x128xi32, #tpu.memory_space<vmem>>, %arg13: memref<1x32xi32, #tpu.memory_space<vmem>>, %arg14: memref<4128x128xf32, #tpu.memory_space<vmem_shared>>, %arg15: memref<!tpu.dma_semaphore, #tpu.memory_space<semaphore_mem>>) attributes {dimension_semantics = [#tpu.dimension_semantics<core_parallel>, #tpu.dimension_semantics<subcore_parallel>], iteration_bounds = array<i64: 2, 16>, scalar_prefetch = 0 : i64, scratch_operands = 9 : i64, tpu.core_type = #tpu.core_type<sc_vector_subcore>, window_params = [{transform_indices = #map}, {transform_indices = #map1}, {transform_indices = #map1}, {transform_indices = #map2}, {transform_indices = #map2}]} {
    %scan3A = arith.constant 0 : i32
    %scan3A_0 = arith.constant 0 : i32
    %scan3A_1 = arith.constant 64 : i32
    %scan3A_2 = arith.addi %scan3A_0, %scan3A_1 : i32
    %scan3A_3 = arith.constant 1 : i32
    %scan3A_4 = scf.for %scan3A_63 = %scan3A_0 to %scan3A_2 step %scan3A_3 iter_args(%scan3A_64 = %scan3A) -> (i32)  : i32 {
      %broadcast_in_dim3A = arith.constant 0.000000e+00 : f32
      %broadcast_in_dim3A_65 = vector.broadcast %broadcast_in_dim3A : f32 to vector<16xf32>
      %jit3A = arith.constant 8 : i32
      %div3A = arith.divsi %scan3A_63, %jit3A : i32
      %sign3A = arith.constant 0 : i32
      %sign3A_66 = arith.cmpi sgt, %scan3A_63, %sign3A : i32
      %sign3A_67 = arith.extui %sign3A_66 : i1 to i32
      %sign3A_68 = arith.constant 0 : i32
      %sign3A_69 = arith.cmpi slt, %scan3A_63, %sign3A_68 : i32
      %sign3A_70 = arith.extui %sign3A_69 : i1 to i32
      %sign3A_71 = arith.subi %sign3A_67, %sign3A_70 : i32
      %sign3A_72 = arith.constant 0 : i32
      %sign3A_73 = arith.cmpi sgt, %jit3A, %sign3A_72 : i32
      %sign3A_74 = arith.extui %sign3A_73 : i1 to i32
      %sign3A_75 = arith.constant 0 : i32
      %sign3A_76 = arith.cmpi slt, %jit3A, %sign3A_75 : i32
      %sign3A_77 = arith.extui %sign3A_76 : i1 to i32
      %sign3A_78 = arith.subi %sign3A_74, %sign3A_77 : i32
      %ne3A = arith.cmpi ne, %sign3A_71, %sign3A_78 : i32
      %rem3A = arith.remsi %scan3A_63, %jit3A : i32
      %ne3A_79 = arith.constant 0 : i32
      %ne3A_80 = arith.cmpi ne, %rem3A, %ne3A_79 : i32
      %and3A = arith.andi %ne3A, %ne3A_80 : i1
      %sub3A = arith.constant 1 : i32
      %sub3A_81 = arith.subi %div3A, %sub3A : i32
      %select_n3A = arith.select %and3A, %sub3A_81, %div3A : i32
      %jit3A_82 = arith.constant 8 : i32
      %eq3A_83 = arith.constant 0 : i32
      %eq3A_84 = arith.cmpi eq, %jit3A_82, %eq3A_83 : i32
      %jit3A_85 = arith.constant 1 : i32
      %select_n3A_86 = arith.select %eq3A_84, %jit3A_85, %jit3A_82 : i32
      %rem3A_87 = arith.remsi %scan3A_63, %select_n3A_86 : i32
      %ne3A_88 = arith.constant 0 : i32
      %ne3A_89 = arith.cmpi ne, %rem3A_87, %ne3A_88 : i32
      %lt3A = arith.constant 0 : i32
      %lt3A_90 = arith.cmpi slt, %rem3A_87, %lt3A : i32
      %lt3A_91 = arith.constant 0 : i32
      %lt3A_92 = arith.cmpi slt, %select_n3A_86, %lt3A_91 : i32
      %ne3A_93 = arith.xori %lt3A_90, %lt3A_92 : i1
      %and3A_94 = arith.andi %ne3A_93, %ne3A_89 : i1
      %add3A_95 = arith.addi %rem3A_87, %select_n3A_86 : i32
      %select_n3A_96 = arith.select %and3A_94, %add3A_95, %rem3A_87 : i32
      %mul3A_97 = arith.constant 16 : i32
      %mul3A_98 = arith.muli %select_n3A_96, %mul3A_97 : i32
      %swap3A_99 = arith.index_cast %select_n3A : i32 to index
      %swap3A_100 = arith.index_cast %mul3A_98 : i32 to index
      %swap3A_101 = tpu.vector_load %arg11[%swap3A_99, %swap3A_100] {strides = array<i32>} : memref<8x128xf32, #tpu.memory_space<vmem>>, vector<16xf32>,
      tpu.vector_store %arg11[%swap3A_99, %swap3A_100], %broadcast_in_dim3A_65 {strides = array<i32>} : memref<8x128xf32, #tpu.memory_space<vmem>>, vector<16xf32>,
      %scan3A_102 = arith.constant 0 : i32
      scf.yield %scan3A_102 : i32
    }
    %scan3A_5 = arith.constant 64 : i32
    %scan3A_6 = arith.constant 0 : i32
    %scan3A_7 = arith.constant 0 : i32
    %scan3A_8 = arith.constant 256 : i32
    %scan3A_9 = arith.addi %scan3A_7, %scan3A_8 : i32
    %scan3A_10 = arith.constant 1 : i32
    %scan3A_11 = scf.for %scan3A_63 = %scan3A_7 to %scan3A_9 step %scan3A_10 iter_args(%scan3A_64 = %scan3A_6) -> (i32)  : i32 {
      %broadcast_in_dim3A = arith.constant 0.000000e+00 : f32
      %broadcast_in_dim3A_65 = vector.broadcast %broadcast_in_dim3A : f32 to vector<16xf32>
      %jit3A = arith.constant 8 : i32
      %div3A = arith.divsi %scan3A_63, %jit3A : i32
      %sign3A = arith.constant 0 : i32
      %sign3A_66 = arith.cmpi sgt, %scan3A_63, %sign3A : i32
      %sign3A_67 = arith.extui %sign3A_66 : i1 to i32
      %sign3A_68 = arith.constant 0 : i32
      %sign3A_69 = arith.cmpi slt, %scan3A_63, %sign3A_68 : i32
      %sign3A_70 = arith.extui %sign3A_69 : i1 to i32
      %sign3A_71 = arith.subi %sign3A_67, %sign3A_70 : i32
      %sign3A_72 = arith.constant 0 : i32
      %sign3A_73 = arith.cmpi sgt, %jit3A, %sign3A_72 : i32
      %sign3A_74 = arith.extui %sign3A_73 : i1 to i32
      %sign3A_75 = arith.constant 0 : i32
      %sign3A_76 = arith.cmpi slt, %jit3A, %sign3A_75 : i32
      %sign3A_77 = arith.extui %sign3A_76 : i1 to i32
      %sign3A_78 = arith.subi %sign3A_74, %sign3A_77 : i32
      %ne3A = arith.cmpi ne, %sign3A_71, %sign3A_78 : i32
      %rem3A = arith.remsi %scan3A_63, %jit3A : i32
      %ne3A_79 = arith.constant 0 : i32
      %ne3A_80 = arith.cmpi ne, %rem3A, %ne3A_79 : i32
      %and3A = arith.andi %ne3A, %ne3A_80 : i1
      %sub3A = arith.constant 1 : i32
      %sub3A_81 = arith.subi %div3A, %sub3A : i32
      %select_n3A = arith.select %and3A, %sub3A_81, %div3A : i32
      %jit3A_82 = arith.constant 8 : i32
      %eq3A_83 = arith.constant 0 : i32
      %eq3A_84 = arith.cmpi eq, %jit3A_82, %eq3A_83 : i32
      %jit3A_85 = arith.constant 1 : i32
      %select_n3A_86 = arith.select %eq3A_84, %jit3A_85, %jit3A_82 : i32
      %rem3A_87 = arith.remsi %scan3A_63, %select_n3A_86 : i32
      %ne3A_88 = arith.constant 0 : i32
      %ne3A_89 = arith.cmpi ne, %rem3A_87, %ne3A_88 : i32
      %lt3A = arith.constant 0 : i32
      %lt3A_90 = arith.cmpi slt, %rem3A_87, %lt3A : i32
      %lt3A_91 = arith.constant 0 : i32
      %lt3A_92 = arith.cmpi slt, %select_n3A_86, %lt3A_91 : i32
      %ne3A_93 = arith.xori %lt3A_90, %lt3A_92 : i1
      %and3A_94 = arith.andi %ne3A_93, %ne3A_89 : i1
      %add3A_95 = arith.addi %rem3A_87, %select_n3A_86 : i32
      %select_n3A_96 = arith.select %and3A_94, %add3A_95, %rem3A_87 : i32
      %mul3A_97 = arith.constant 16 : i32
      %mul3A_98 = arith.muli %select_n3A_96, %mul3A_97 : i32
      %swap3A_99 = arith.index_cast %select_n3A : i32 to index
      %swap3A_100 = arith.index_cast %mul3A_98 : i32 to index
      %swap3A_101 = tpu.vector_load %arg10[%swap3A_99, %swap3A_100] {strides = array<i32>} : memref<32x128xf32, #tpu.memory_space<vmem>>, vector<16xf32>,
      tpu.vector_store %arg10[%swap3A_99, %swap3A_100], %broadcast_in_dim3A_65 {strides = array<i32>} : memref<32x128xf32, #tpu.memory_space<vmem>>, vector<16xf32>,
      %scan3A_102 = arith.constant 0 : i32
      scf.yield %scan3A_102 : i32
    }
    %scan3A_12 = arith.constant 256 : i32
    %iota3A = tpu.iota {dimensions = array<i32: 0>} : vector<16xi32>
    %add3A = arith.constant 4096 : i32
    %add3A_13 = vector.broadcast %add3A : i32 to vector<16xi32>
    %add3A_14 = arith.addi %iota3A, %add3A_13 : vector<16xi32>
    %swap3A = arith.constant 0 : i32
    %swap3A_15 = arith.index_cast %swap3A : i32 to index
    %swap3A_16 = arith.constant 0 : index
    %swap3A_17 = tpu.vector_load %arg13[%swap3A_15, %swap3A_16] {strides = array<i32>} : memref<1x32xi32, #tpu.memory_space<vmem>>, vector<16xi32>,
    tpu.vector_store %arg13[%swap3A_15, %swap3A_16], %add3A_14 {strides = array<i32>} : memref<1x32xi32, #tpu.memory_space<vmem>>, vector<16xi32>,
    %iota3A_18 = tpu.iota {dimensions = array<i32: 0>} : vector<16xi32>
    %add3A_19 = arith.constant 4112 : i32
    %add3A_20 = vector.broadcast %add3A_19 : i32 to vector<16xi32>
    %add3A_21 = arith.addi %iota3A_18, %add3A_20 : vector<16xi32>
    %swap3A_22 = arith.constant 0 : i32
    %swap3A_23 = arith.index_cast %swap3A_22 : i32 to index
    %swap3A_24 = arith.constant 16 : index
    %swap3A_25 = tpu.vector_load %arg13[%swap3A_23, %swap3A_24] {strides = array<i32>} : memref<1x32xi32, #tpu.memory_space<vmem>>, vector<16xi32>,
    tpu.vector_store %arg13[%swap3A_23, %swap3A_24], %add3A_21 {strides = array<i32>} : memref<1x32xi32, #tpu.memory_space<vmem>>, vector<16xi32>,
    %scan3A_26 = arith.constant 0 : i32
    %scan3A_27 = arith.constant 0 : i32
    %scan3A_28 = arith.constant 32 : i32
    %scan3A_29 = arith.addi %scan3A_27, %scan3A_28 : i32
    %scan3A_30 = arith.constant 1 : i32
    %scan3A_31 = scf.for %scan3A_63 = %scan3A_27 to %scan3A_29 step %scan3A_30 iter_args(%scan3A_64 = %scan3A_26) -> (i32)  : i32 {
      %mul3A_65 = arith.constant 256 : i32
      %mul3A_66 = arith.muli %arg1, %mul3A_65 : i32
      %mul3A_67 = arith.constant 8 : i32
      %mul3A_68 = arith.muli %scan3A_63, %mul3A_67 : i32
      %add3A_69 = arith.addi %mul3A_66, %mul3A_68 : i32
      "tpu.region"() ({
        %run_scoped3A_71 = tpu.sem_alloc : memref<!tpu.dma_semaphore, #tpu.memory_space<semaphore_mem>>
        %dma_start3A = arith.constant 0 : i32
        %dma_start3A_72 = tpu.memref_slice %arg14[%add3A_69, %dma_start3A] : memref<4128x128xf32, #tpu.memory_space<vmem_shared>> -> memref<8x128xf32, #tpu.memory_space<vmem_shared>>
        %dma_start3A_73 = arith.constant 0 : i32
        %dma_start3A_74 = tpu.memref_slice %arg14[%add3A_69, %dma_start3A_73] : memref<4128x128xf32, #tpu.memory_space<vmem_shared>> -> memref<8x128xf32, #tpu.memory_space<vmem_shared>>
        tpu.enqueue_dma source(%arg11 : memref<8x128xf32, #tpu.memory_space<vmem>>) target(%dma_start3A_74 : memref<8x128xf32, #tpu.memory_space<vmem_shared>>) target_semaphore(%run_scoped3A_71 : memref<!tpu.dma_semaphore, #tpu.memory_space<semaphore_mem>>)
        %dma_wait3A = arith.constant 0 : i32
        %dma_wait3A_75 = tpu.memref_slice %arg14[%add3A_69, %dma_wait3A] : memref<4128x128xf32, #tpu.memory_space<vmem_shared>> -> memref<8x128xf32, #tpu.memory_space<vmem_shared>>
        %dma_wait3A_76 = arith.constant 0 : i32
        %dma_wait3A_77 = tpu.memref_slice %arg14[%add3A_69, %dma_wait3A_76] : memref<4128x128xf32, #tpu.memory_space<vmem_shared>> -> memref<8x128xf32, #tpu.memory_space<vmem_shared>>
        tpu.wait_dma2 semaphore(%run_scoped3A_71 : memref<!tpu.dma_semaphore, #tpu.memory_space<semaphore_mem>>) src(%arg11 : memref<8x128xf32, #tpu.memory_space<vmem>>) dst(%dma_wait3A_77 : memref<8x128xf32, #tpu.memory_space<vmem_shared>>)
        tpu.yield
      }) : () -> ()
      %scan3A_70 = arith.constant 0 : i32
      scf.yield %scan3A_70 : i32
    }
    %scan3A_32 = arith.constant 32 : i32
    %eq3A = arith.constant 0 : i32
    %eq3A_33 = arith.cmpi eq, %arg1, %eq3A : i32
    %convert_element_type3A = arith.extui %eq3A_33 : i1 to i32
    %cond3A = arith.constant 0 : i32
    %cond3A_34 = arith.cmpi ne, %convert_element_type3A, %cond3A : i32
    scf.if %cond3A_34 {
      %scan3A_63 = arith.constant 0 : i32
      %scan3A_64 = arith.constant 0 : i32
      %scan3A_65 = arith.constant 4 : i32
      %scan3A_66 = arith.addi %scan3A_64, %scan3A_65 : i32
      %scan3A_67 = arith.constant 1 : i32
      %scan3A_68 = scf.for %scan3A_70 = %scan3A_64 to %scan3A_66 step %scan3A_67 iter_args(%scan3A_71 = %scan3A_63) -> (i32)  : i32 {
        %mul3A_72 = arith.constant 8 : i32
        %mul3A_73 = arith.muli %scan3A_70, %mul3A_72 : i32
        %add3A_74 = arith.constant 4096 : i32
        %add3A_75 = arith.addi %add3A_74, %mul3A_73 : i32
        "tpu.region"() ({
          %run_scoped3A_77 = tpu.sem_alloc : memref<!tpu.dma_semaphore, #tpu.memory_space<semaphore_mem>>
          %dma_start3A = arith.constant 0 : i32
          %dma_start3A_78 = tpu.memref_slice %arg14[%add3A_75, %dma_start3A] : memref<4128x128xf32, #tpu.memory_space<vmem_shared>> -> memref<8x128xf32, #tpu.memory_space<vmem_shared>>
          %dma_start3A_79 = arith.constant 0 : i32
          %dma_start3A_80 = tpu.memref_slice %arg14[%add3A_75, %dma_start3A_79] : memref<4128x128xf32, #tpu.memory_space<vmem_shared>> -> memref<8x128xf32, #tpu.memory_space<vmem_shared>>
          tpu.enqueue_dma source(%arg11 : memref<8x128xf32, #tpu.memory_space<vmem>>) target(%dma_start3A_80 : memref<8x128xf32, #tpu.memory_space<vmem_shared>>) target_semaphore(%run_scoped3A_77 : memref<!tpu.dma_semaphore, #tpu.memory_space<semaphore_mem>>)
          %dma_wait3A = arith.constant 0 : i32
          %dma_wait3A_81 = tpu.memref_slice %arg14[%add3A_75, %dma_wait3A] : memref<4128x128xf32, #tpu.memory_space<vmem_shared>> -> memref<8x128xf32, #tpu.memory_space<vmem_shared>>
          %dma_wait3A_82 = arith.constant 0 : i32
          %dma_wait3A_83 = tpu.memref_slice %arg14[%add3A_75, %dma_wait3A_82] : memref<4128x128xf32, #tpu.memory_space<vmem_shared>> -> memref<8x128xf32, #tpu.memory_space<vmem_shared>>
          tpu.wait_dma2 semaphore(%run_scoped3A_77 : memref<!tpu.dma_semaphore, #tpu.memory_space<semaphore_mem>>) src(%arg11 : memref<8x128xf32, #tpu.memory_space<vmem>>) dst(%dma_wait3A_83 : memref<8x128xf32, #tpu.memory_space<vmem_shared>>)
          tpu.yield
        }) : () -> ()
        %scan3A_76 = arith.constant 0 : i32
        scf.yield %scan3A_76 : i32
      }
      %scan3A_69 = arith.constant 4 : i32
    } else {
    }
    %barrier3A = arith.constant 0 : index
    tpu.barrier barrier_id(%barrier3A)
    %mul3A = arith.constant 16 : i32
    %mul3A_35 = arith.muli %arg0, %mul3A : i32
    %add3A_36 = arith.addi %mul3A_35, %arg1 : i32
    %mul3A_37 = arith.constant 2048 : i32
    %mul3A_38 = arith.muli %add3A_36, %mul3A_37 : i32
    "tpu.region"() ({
      %run_scoped3A_63 = tpu.sem_alloc : memref<!tpu.dma_semaphore, #tpu.memory_space<semaphore_mem>>
      %dma_start3A = tpu.memref_slice %arg3[%mul3A_38] : memref<65536xi32, #tpu.memory_space<hbm>> -> memref<2048xi32, #tpu.memory_space<hbm>>
      %dma_start3A_64 = tpu.memref_slice %arg3[%mul3A_38] : memref<65536xi32, #tpu.memory_space<hbm>> -> memref<2048xi32, #tpu.memory_space<hbm>>
      tpu.enqueue_dma source(%dma_start3A_64 : memref<2048xi32, #tpu.memory_space<hbm>>) target(%arg7 : memref<2048xi32, #tpu.memory_space<vmem>>) target_semaphore(%run_scoped3A_63 : memref<!tpu.dma_semaphore, #tpu.memory_space<semaphore_mem>>)
      %dma_wait3A = tpu.memref_slice %arg3[%mul3A_38] : memref<65536xi32, #tpu.memory_space<hbm>> -> memref<2048xi32, #tpu.memory_space<hbm>>
      %dma_wait3A_65 = tpu.memref_slice %arg3[%mul3A_38] : memref<65536xi32, #tpu.memory_space<hbm>> -> memref<2048xi32, #tpu.memory_space<hbm>>
      tpu.wait_dma2 semaphore(%run_scoped3A_63 : memref<!tpu.dma_semaphore, #tpu.memory_space<semaphore_mem>>) src(%dma_wait3A_65 : memref<2048xi32, #tpu.memory_space<hbm>>) dst(%arg7 : memref<2048xi32, #tpu.memory_space<vmem>>)
      tpu.yield
    }) : () -> ()
    "tpu.region"() ({
      %run_scoped3A_63 = tpu.sem_alloc : memref<!tpu.dma_semaphore, #tpu.memory_space<semaphore_mem>>
      %dma_start3A = tpu.memref_slice %arg4[%mul3A_38] : memref<65536xi32, #tpu.memory_space<hbm>> -> memref<2048xi32, #tpu.memory_space<hbm>>
      %dma_start3A_64 = tpu.memref_slice %arg4[%mul3A_38] : memref<65536xi32, #tpu.memory_space<hbm>> -> memref<2048xi32, #tpu.memory_space<hbm>>
      tpu.enqueue_dma source(%dma_start3A_64 : memref<2048xi32, #tpu.memory_space<hbm>>) target(%arg8 : memref<2048xi32, #tpu.memory_space<vmem>>) target_semaphore(%run_scoped3A_63 : memref<!tpu.dma_semaphore, #tpu.memory_space<semaphore_mem>>)
      %dma_wait3A = tpu.memref_slice %arg4[%mul3A_38] : memref<65536xi32, #tpu.memory_space<hbm>> -> memref<2048xi32, #tpu.memory_space<hbm>>
      %dma_wait3A_65 = tpu.memref_slice %arg4[%mul3A_38] : memref<65536xi32, #tpu.memory_space<hbm>> -> memref<2048xi32, #tpu.memory_space<hbm>>
      tpu.wait_dma2 semaphore(%run_scoped3A_63 : memref<!tpu.dma_semaphore, #tpu.memory_space<semaphore_mem>>) src(%dma_wait3A_65 : memref<2048xi32, #tpu.memory_space<hbm>>) dst(%arg8 : memref<2048xi32, #tpu.memory_space<vmem>>)
      tpu.yield
    }) : () -> ()
    %scan3A_39 = arith.constant 0 : i32
    %scan3A_40 = arith.constant 0 : i32
    %scan3A_41 = arith.constant 128 : i32
    %scan3A_42 = arith.addi %scan3A_40, %scan3A_41 : i32
    %scan3A_43 = arith.constant 1 : i32
    %scan3A_44 = scf.for %scan3A_63 = %scan3A_40 to %scan3A_42 step %scan3A_43 iter_args(%scan3A_64 = %scan3A_39) -> (i32)  : i32 {
      %mul3A_65 = arith.constant 16 : i32
      %mul3A_66 = arith.muli %scan3A_63, %mul3A_65 : i32
      %get3A = arith.index_cast %mul3A_66 : i32 to index
      %get3A_67 = tpu.vector_load %arg8[%get3A] {strides = array<i32>} : memref<2048xi32, #tpu.memory_space<vmem>>, vector<16xi32>,
      %shift_right_logical3A = arith.constant 7 : i32
      %shift_right_logical3A_68 = vector.broadcast %shift_right_logical3A : i32 to vector<16xi32>
      %shift_right_logical3A_69 = arith.shrui %get3A_67, %shift_right_logical3A_68 : vector<16xi32>
      %and3A = arith.constant 127 : i32
      %and3A_70 = vector.broadcast %and3A : i32 to vector<16xi32>
      %and3A_71 = arith.andi %get3A_67, %and3A_70 : vector<16xi32>
      %broadcast_in_dim3A = arith.constant 1.000000e+00 : f32
      %broadcast_in_dim3A_72 = vector.broadcast %broadcast_in_dim3A : f32 to vector<16xf32>
      tpu.vector_store_idx %arg10[%shift_right_logical3A_69, %and3A_71], %broadcast_in_dim3A_72 {add = true} : memref<32x128xf32, #tpu.memory_space<vmem>>[vector<16xi32>, vector<16xi32>], vector<16xf32>,
      %scan3A_73 = arith.constant 0 : i32
      scf.yield %scan3A_73 : i32
    }
    %scan3A_45 = arith.constant 128 : i32
    %scan3A_46 = arith.constant 0 : i32
    %scan3A_47 = arith.constant 0 : i32
    %scan3A_48 = arith.constant 16 : i32
    %scan3A_49 = arith.addi %scan3A_47, %scan3A_48 : i32
    %scan3A_50 = arith.constant 1 : i32
    %scan3A_51 = scf.for %scan3A_63 = %scan3A_47 to %scan3A_49 step %scan3A_50 iter_args(%scan3A_64 = %scan3A_46) -> (i32)  : i32 {
      %mul3A_65 = arith.constant 128 : i32
      %mul3A_66 = arith.muli %scan3A_63, %mul3A_65 : i32
      %dma_start3A = tpu.memref_slice %arg7[%mul3A_66] : memref<2048xi32, #tpu.memory_space<vmem>> -> memref<128xi32, #tpu.memory_space<vmem>>
      %dma_start3A_67 = arith.constant 0 : i32
      %dma_start3A_68 = arith.constant 0 : i32
      %dma_start3A_69 = tpu.memref_slice %arg2[%dma_start3A_67, %dma_start3A_68] : memref<65536x128xf32, #tpu.memory_space<hbm>> -> memref<65536x128xf32, #tpu.memory_space<hbm>>
      tpu.enqueue_indirect_dma source(%dma_start3A_69 : memref<65536x128xf32, #tpu.memory_space<hbm>>) target(%arg9 : memref<128x128xf32, #tpu.memory_space<vmem>>) offsets(%dma_start3A : memref<128xi32, #tpu.memory_space<vmem>>) semaphore(%arg15 : memref<!tpu.dma_semaphore, #tpu.memory_space<semaphore_mem>>)
      %dma_wait3A = tpu.memref_slice %arg7[%mul3A_66] : memref<2048xi32, #tpu.memory_space<vmem>> -> memref<128xi32, #tpu.memory_space<vmem>>
      %dma_wait3A_70 = arith.constant 0 : i32
      %dma_wait3A_71 = arith.constant 0 : i32
      %dma_wait3A_72 = tpu.memref_slice %arg2[%dma_wait3A_70, %dma_wait3A_71] : memref<65536x128xf32, #tpu.memory_space<hbm>> -> memref<65536x128xf32, #tpu.memory_space<hbm>>
      tpu.wait_indirect_dma semaphore(%arg15 : memref<!tpu.dma_semaphore, #tpu.memory_space<semaphore_mem>>) src(%dma_wait3A_72 : memref<65536x128xf32, #tpu.memory_space<hbm>>) dst(%arg9 : memref<128x128xf32, #tpu.memory_space<vmem>>)
      %add3A_73 = arith.constant 0 : i32
      %add3A_74 = arith.addi %mul3A_66, %add3A_73 : i32
      %get3A = arith.index_cast %add3A_74 : i32 to index
      %get3A_75 = tpu.vector_load %arg8[%get3A] {strides = array<i32>} : memref<2048xi32, #tpu.memory_space<vmem>>, vector<16xi32>,
      %swap3A_76 = arith.constant 0 : i32
      %swap3A_77 = arith.index_cast %swap3A_76 : i32 to index
      %swap3A_78 = arith.constant 0 : index
      %swap3A_79 = tpu.vector_load %arg12[%swap3A_77, %swap3A_78] {strides = array<i32>} : memref<1x128xi32, #tpu.memory_space<vmem>>, vector<16xi32>,
      tpu.vector_store %arg12[%swap3A_77, %swap3A_78], %get3A_75 {strides = array<i32>} : memref<1x128xi32, #tpu.memory_space<vmem>>, vector<16xi32>,
      %add3A_80 = arith.constant 16 : i32
      %add3A_81 = arith.addi %mul3A_66, %add3A_80 : i32
      %get3A_82 = arith.index_cast %add3A_81 : i32 to index
      %get3A_83 = tpu.vector_load %arg8[%get3A_82] {strides = array<i32>} : memref<2048xi32, #tpu.memory_space<vmem>>, vector<16xi32>,
      %swap3A_84 = arith.constant 0 : i32
      %swap3A_85 = arith.index_cast %swap3A_84 : i32 to index
      %swap3A_86 = arith.constant 16 : index
      %swap3A_87 = tpu.vector_load %arg12[%swap3A_85, %swap3A_86] {strides = array<i32>} : memref<1x128xi32, #tpu.memory_space<vmem>>, vector<16xi32>,
      tpu.vector_store %arg12[%swap3A_85, %swap3A_86], %get3A_83 {strides = array<i32>} : memref<1x128xi32, #tpu.memory_space<vmem>>, vector<16xi32>,
      %add3A_88 = arith.constant 32 : i32
      %add3A_89 = arith.addi %mul3A_66, %add3A_88 : i32
      %get3A_90 = arith.index_cast %add3A_89 : i32 to index
      %get3A_91 = tpu.vector_load %arg8[%get3A_90] {strides = array<i32>} : memref<2048xi32, #tpu.memory_space<vmem>>, vector<16xi32>,
      %swap3A_92 = arith.constant 0 : i32
      %swap3A_93 = arith.index_cast %swap3A_92 : i32 to index
      %swap3A_94 = arith.constant 32 : index
      %swap3A_95 = tpu.vector_load %arg12[%swap3A_93, %swap3A_94] {strides = array<i32>} : memref<1x128xi32, #tpu.memory_space<vmem>>, vector<16xi32>,
      tpu.vector_store %arg12[%swap3A_93, %swap3A_94], %get3A_91 {strides = array<i32>} : memref<1x128xi32, #tpu.memory_space<vmem>>, vector<16xi32>,
      %add3A_96 = arith.constant 48 : i32
      %add3A_97 = arith.addi %mul3A_66, %add3A_96 : i32
      %get3A_98 = arith.index_cast %add3A_97 : i32 to index
      %get3A_99 = tpu.vector_load %arg8[%get3A_98] {strides = array<i32>} : memref<2048xi32, #tpu.memory_space<vmem>>, vector<16xi32>,
      %swap3A_100 = arith.constant 0 : i32
      %swap3A_101 = arith.index_cast %swap3A_100 : i32 to index
      %swap3A_102 = arith.constant 48 : index
      %swap3A_103 = tpu.vector_load %arg12[%swap3A_101, %swap3A_102] {strides = array<i32>} : memref<1x128xi32, #tpu.memory_space<vmem>>, vector<16xi32>,
      tpu.vector_store %arg12[%swap3A_101, %swap3A_102], %get3A_99 {strides = array<i32>} : memref<1x128xi32, #tpu.memory_space<vmem>>, vector<16xi32>,
      %add3A_104 = arith.constant 64 : i32
      %add3A_105 = arith.addi %mul3A_66, %add3A_104 : i32
      %get3A_106 = arith.index_cast %add3A_105 : i32 to index
      %get3A_107 = tpu.vector_load %arg8[%get3A_106] {strides = array<i32>} : memref<2048xi32, #tpu.memory_space<vmem>>, vector<16xi32>,
      %swap3A_108 = arith.constant 0 : i32
      %swap3A_109 = arith.index_cast %swap3A_108 : i32 to index
      %swap3A_110 = arith.constant 64 : index
      %swap3A_111 = tpu.vector_load %arg12[%swap3A_109, %swap3A_110] {strides = array<i32>} : memref<1x128xi32, #tpu.memory_space<vmem>>, vector<16xi32>,
      tpu.vector_store %arg12[%swap3A_109, %swap3A_110], %get3A_107 {strides = array<i32>} : memref<1x128xi32, #tpu.memory_space<vmem>>, vector<16xi32>,
      %add3A_112 = arith.constant 80 : i32
      %add3A_113 = arith.addi %mul3A_66, %add3A_112 : i32
      %get3A_114 = arith.index_cast %add3A_113 : i32 to index
      %get3A_115 = tpu.vector_load %arg8[%get3A_114] {strides = array<i32>} : memref<2048xi32, #tpu.memory_space<vmem>>, vector<16xi32>,
      %swap3A_116 = arith.constant 0 : i32
      %swap3A_117 = arith.index_cast %swap3A_116 : i32 to index
      %swap3A_118 = arith.constant 80 : index
      %swap3A_119 = tpu.vector_load %arg12[%swap3A_117, %swap3A_118] {strides = array<i32>} : memref<1x128xi32, #tpu.memory_space<vmem>>, vector<16xi32>,
      tpu.vector_store %arg12[%swap3A_117, %swap3A_118], %get3A_115 {strides = array<i32>} : memref<1x128xi32, #tpu.memory_space<vmem>>, vector<16xi32>,
      %add3A_120 = arith.constant 96 : i32
      %add3A_121 = arith.addi %mul3A_66, %add3A_120 : i32
      %get3A_122 = arith.index_cast %add3A_121 : i32 to index
      %get3A_123 = tpu.vector_load %arg8[%get3A_122] {strides = array<i32>} : memref<2048xi32, #tpu.memory_space<vmem>>, vector<16xi32>,
      %swap3A_124 = arith.constant 0 : i32
      %swap3A_125 = arith.index_cast %swap3A_124 : i32 to index
      %swap3A_126 = arith.constant 96 : index
      %swap3A_127 = tpu.vector_load %arg12[%swap3A_125, %swap3A_126] {strides = array<i32>} : memref<1x128xi32, #tpu.memory_space<vmem>>, vector<16xi32>,
      tpu.vector_store %arg12[%swap3A_125, %swap3A_126], %get3A_123 {strides = array<i32>} : memref<1x128xi32, #tpu.memory_space<vmem>>, vector<16xi32>,
      %add3A_128 = arith.constant 112 : i32
      %add3A_129 = arith.addi %mul3A_66, %add3A_128 : i32
      %get3A_130 = arith.index_cast %add3A_129 : i32 to index
      %get3A_131 = tpu.vector_load %arg8[%get3A_130] {strides = array<i32>} : memref<2048xi32, #tpu.memory_space<vmem>>, vector<16xi32>,
      %swap3A_132 = arith.constant 0 : i32
      %swap3A_133 = arith.index_cast %swap3A_132 : i32 to index
      %swap3A_134 = arith.constant 112 : index
      %swap3A_135 = tpu.vector_load %arg12[%swap3A_133, %swap3A_134] {strides = array<i32>} : memref<1x128xi32, #tpu.memory_space<vmem>>, vector<16xi32>,
      tpu.vector_store %arg12[%swap3A_133, %swap3A_134], %get3A_131 {strides = array<i32>} : memref<1x128xi32, #tpu.memory_space<vmem>>, vector<16xi32>,
      %run_scoped3A_136 = arith.constant 0 : i32
      "tpu.region"() ({
        %run_scoped3A_138 = tpu.sem_alloc : memref<!tpu.dma_semaphore, #tpu.memory_space<semaphore_mem>>
        %dma_start3A_139 = arith.constant 0 : i32
        %dma_start3A_140 = tpu.memref_slice %arg12[%run_scoped3A_136, %dma_start3A_139] : memref<1x128xi32, #tpu.memory_space<vmem>> -> memref<1x128xi32, #tpu.memory_space<vmem>>
        %dma_start3A_141 = tpu.memref_squeeze %dma_start3A_140 : memref<1x128xi32, #tpu.memory_space<vmem>> -> memref<128xi32, #tpu.memory_space<vmem>>
        %dma_start3A_142 = arith.constant 0 : i32
        %dma_start3A_143 = arith.constant 0 : i32
        %dma_start3A_144 = tpu.memref_slice %arg14[%dma_start3A_142, %dma_start3A_143] : memref<4128x128xf32, #tpu.memory_space<vmem_shared>> -> memref<4128x128xf32, #tpu.memory_space<vmem_shared>>
        tpu.enqueue_indirect_dma source(%arg9 : memref<128x128xf32, #tpu.memory_space<vmem>>) target(%dma_start3A_144 : memref<4128x128xf32, #tpu.memory_space<vmem_shared>>) offsets(%dma_start3A_141 : memref<128xi32, #tpu.memory_space<vmem>>) semaphore(%run_scoped3A_138 : memref<!tpu.dma_semaphore, #tpu.memory_space<semaphore_mem>>) {add = true}
        %dma_wait3A_145 = arith.constant 0 : i32
        %dma_wait3A_146 = tpu.memref_slice %arg12[%run_scoped3A_136, %dma_wait3A_145] : memref<1x128xi32, #tpu.memory_space<vmem>> -> memref<1x128xi32, #tpu.memory_space<vmem>>
        %dma_wait3A_147 = tpu.memref_squeeze %dma_wait3A_146 : memref<1x128xi32, #tpu.memory_space<vmem>> -> memref<128xi32, #tpu.memory_space<vmem>>
        %dma_wait3A_148 = arith.constant 0 : i32
        %dma_wait3A_149 = arith.constant 0 : i32
        %dma_wait3A_150 = tpu.memref_slice %arg14[%dma_wait3A_148, %dma_wait3A_149] : memref<4128x128xf32, #tpu.memory_space<vmem_shared>> -> memref<4128x128xf32, #tpu.memory_space<vmem_shared>>
        tpu.wait_indirect_dma semaphore(%run_scoped3A_138 : memref<!tpu.dma_semaphore, #tpu.memory_space<semaphore_mem>>) src(%arg9 : memref<128x128xf32, #tpu.memory_space<vmem>>) dst(%dma_wait3A_150 : memref<4128x128xf32, #tpu.memory_space<vmem_shared>>)
        tpu.yield
      }) : () -> ()
      %scan3A_137 = arith.constant 0 : i32
      scf.yield %scan3A_137 : i32
    }
    %scan3A_52 = arith.constant 16 : i32
    %run_scoped3A = arith.constant 0 : i32
    "tpu.region"() ({
      %run_scoped3A_63 = tpu.sem_alloc : memref<!tpu.dma_semaphore, #tpu.memory_space<semaphore_mem>>
      %dma_start3A = arith.constant 0 : i32
      %dma_start3A_64 = tpu.memref_slice %arg13[%run_scoped3A, %dma_start3A] : memref<1x32xi32, #tpu.memory_space<vmem>> -> memref<1x32xi32, #tpu.memory_space<vmem>>
      %dma_start3A_65 = tpu.memref_squeeze %dma_start3A_64 : memref<1x32xi32, #tpu.memory_space<vmem>> -> memref<32xi32, #tpu.memory_space<vmem>>
      %dma_start3A_66 = arith.constant 0 : i32
      %dma_start3A_67 = arith.constant 0 : i32
      %dma_start3A_68 = tpu.memref_slice %arg14[%dma_start3A_66, %dma_start3A_67] : memref<4128x128xf32, #tpu.memory_space<vmem_shared>> -> memref<4128x128xf32, #tpu.memory_space<vmem_shared>>
      tpu.enqueue_indirect_dma source(%arg10 : memref<32x128xf32, #tpu.memory_space<vmem>>) target(%dma_start3A_68 : memref<4128x128xf32, #tpu.memory_space<vmem_shared>>) offsets(%dma_start3A_65 : memref<32xi32, #tpu.memory_space<vmem>>) semaphore(%run_scoped3A_63 : memref<!tpu.dma_semaphore, #tpu.memory_space<semaphore_mem>>) {add = true}
      %dma_wait3A = arith.constant 0 : i32
      %dma_wait3A_69 = tpu.memref_slice %arg13[%run_scoped3A, %dma_wait3A] : memref<1x32xi32, #tpu.memory_space<vmem>> -> memref<1x32xi32, #tpu.memory_space<vmem>>
      %dma_wait3A_70 = tpu.memref_squeeze %dma_wait3A_69 : memref<1x32xi32, #tpu.memory_space<vmem>> -> memref<32xi32, #tpu.memory_space<vmem>>
      %dma_wait3A_71 = arith.constant 0 : i32
      %dma_wait3A_72 = arith.constant 0 : i32
      %dma_wait3A_73 = tpu.memref_slice %arg14[%dma_wait3A_71, %dma_wait3A_72] : memref<4128x128xf32, #tpu.memory_space<vmem_shared>> -> memref<4128x128xf32, #tpu.memory_space<vmem_shared>>
      tpu.wait_indirect_dma semaphore(%run_scoped3A_63 : memref<!tpu.dma_semaphore, #tpu.memory_space<semaphore_mem>>) src(%arg10 : memref<32x128xf32, #tpu.memory_space<vmem>>) dst(%dma_wait3A_73 : memref<4128x128xf32, #tpu.memory_space<vmem_shared>>)
      tpu.yield
    }) : () -> ()
    %barrier3A_53 = arith.constant 0 : index
    tpu.barrier barrier_id(%barrier3A_53)
    %mul3A_54 = arith.constant 256 : i32
    %mul3A_55 = arith.muli %arg1, %mul3A_54 : i32
    %mul3A_56 = arith.constant 256 : i32
    %mul3A_57 = arith.muli %arg1, %mul3A_56 : i32
    "tpu.region"() ({
      %run_scoped3A_63 = tpu.sem_alloc : memref<!tpu.dma_semaphore, #tpu.memory_space<semaphore_mem>>
      %dma_start3A = arith.constant 0 : i32
      %dma_start3A_64 = tpu.memref_slice %arg5[%arg0, %mul3A_57, %dma_start3A] : memref<2x4096x128xf32, #tpu.memory_space<hbm>> -> memref<1x256x128xf32, #tpu.memory_space<hbm>>
      %dma_start3A_65 = tpu.memref_squeeze %dma_start3A_64 : memref<1x256x128xf32, #tpu.memory_space<hbm>> -> memref<256x128xf32, #tpu.memory_space<hbm>>
      %dma_start3A_66 = arith.constant 0 : i32
      %dma_start3A_67 = tpu.memref_slice %arg14[%mul3A_55, %dma_start3A_66] : memref<4128x128xf32, #tpu.memory_space<vmem_shared>> -> memref<256x128xf32, #tpu.memory_space<vmem_shared>>
      tpu.enqueue_dma source(%dma_start3A_67 : memref<256x128xf32, #tpu.memory_space<vmem_shared>>) target(%dma_start3A_65 : memref<256x128xf32, #tpu.memory_space<hbm>>) target_semaphore(%run_scoped3A_63 : memref<!tpu.dma_semaphore, #tpu.memory_space<semaphore_mem>>)
      %dma_wait3A = arith.constant 0 : i32
      %dma_wait3A_68 = tpu.memref_slice %arg5[%arg0, %mul3A_57, %dma_wait3A] : memref<2x4096x128xf32, #tpu.memory_space<hbm>> -> memref<1x256x128xf32, #tpu.memory_space<hbm>>
      %dma_wait3A_69 = tpu.memref_squeeze %dma_wait3A_68 : memref<1x256x128xf32, #tpu.memory_space<hbm>> -> memref<256x128xf32, #tpu.memory_space<hbm>>
      %dma_wait3A_70 = arith.constant 0 : i32
      %dma_wait3A_71 = tpu.memref_slice %arg14[%mul3A_55, %dma_wait3A_70] : memref<4128x128xf32, #tpu.memory_space<vmem_shared>> -> memref<256x128xf32, #tpu.memory_space<vmem_shared>>
      tpu.wait_dma2 semaphore(%run_scoped3A_63 : memref<!tpu.dma_semaphore, #tpu.memory_space<semaphore_mem>>) src(%dma_wait3A_71 : memref<256x128xf32, #tpu.memory_space<vmem_shared>>) dst(%dma_wait3A_69 : memref<256x128xf32, #tpu.memory_space<hbm>>)
      tpu.yield
    }) : () -> ()
    %eq3A_58 = arith.constant 0 : i32
    %eq3A_59 = arith.cmpi eq, %arg1, %eq3A_58 : i32
    %convert_element_type3A_60 = arith.extui %eq3A_59 : i1 to i32
    %cond3A_61 = arith.constant 0 : i32
    %cond3A_62 = arith.cmpi ne, %convert_element_type3A_60, %cond3A_61 : i32
    scf.if %cond3A_62 {
      "tpu.region"() ({
        %run_scoped3A_63 = tpu.sem_alloc : memref<!tpu.dma_semaphore, #tpu.memory_space<semaphore_mem>>
        %dma_start3A = arith.constant 0 : i32
        %dma_start3A_64 = arith.constant 0 : i32
        %dma_start3A_65 = tpu.memref_slice %arg6[%arg0, %dma_start3A, %dma_start3A_64] : memref<2x32x128xf32, #tpu.memory_space<hbm>> -> memref<1x32x128xf32, #tpu.memory_space<hbm>>
        %dma_start3A_66 = tpu.memref_squeeze %dma_start3A_65 : memref<1x32x128xf32, #tpu.memory_space<hbm>> -> memref<32x128xf32, #tpu.memory_space<hbm>>
        %dma_start3A_67 = arith.constant 4096 : i32
        %dma_start3A_68 = arith.constant 0 : i32
        %dma_start3A_69 = tpu.memref_slice %arg14[%dma_start3A_67, %dma_start3A_68] : memref<4128x128xf32, #tpu.memory_space<vmem_shared>> -> memref<32x128xf32, #tpu.memory_space<vmem_shared>>
        tpu.enqueue_dma source(%dma_start3A_69 : memref<32x128xf32, #tpu.memory_space<vmem_shared>>) target(%dma_start3A_66 : memref<32x128xf32, #tpu.memory_space<hbm>>) target_semaphore(%run_scoped3A_63 : memref<!tpu.dma_semaphore, #tpu.memory_space<semaphore_mem>>)
        %dma_wait3A = arith.constant 0 : i32
        %dma_wait3A_70 = arith.constant 0 : i32
        %dma_wait3A_71 = tpu.memref_slice %arg6[%arg0, %dma_wait3A, %dma_wait3A_70] : memref<2x32x128xf32, #tpu.memory_space<hbm>> -> memref<1x32x128xf32, #tpu.memory_space<hbm>>
        %dma_wait3A_72 = tpu.memref_squeeze %dma_wait3A_71 : memref<1x32x128xf32, #tpu.memory_space<hbm>> -> memref<32x128xf32, #tpu.memory_space<hbm>>
        %dma_wait3A_73 = arith.constant 4096 : i32
        %dma_wait3A_74 = arith.constant 0 : i32
        %dma_wait3A_75 = tpu.memref_slice %arg14[%dma_wait3A_73, %dma_wait3A_74] : memref<4128x128xf32, #tpu.memory_space<vmem_shared>> -> memref<32x128xf32, #tpu.memory_space<vmem_shared>>
        tpu.wait_dma2 semaphore(%run_scoped3A_63 : memref<!tpu.dma_semaphore, #tpu.memory_space<semaphore_mem>>) src(%dma_wait3A_75 : memref<32x128xf32, #tpu.memory_space<vmem_shared>>) dst(%dma_wait3A_72 : memref<32x128xf32, #tpu.memory_space<hbm>>)
        tpu.yield
      }) : () -> ()
    } else {
    }
    return
  }
}

#map = affine_map<(d0, d1) -> (0)>
#map1 = affine_map<(d0, d1) -> (0, 0)>
module attributes {stable_mosaic.version = 14 : i64} {
  func.func @_sc1(%arg0: i32, %arg1: i32, %arg2: memref<262144xi32, #tpu.memory_space<hbm>>, %arg3: memref<524288xi32, #tpu.memory_space<hbm>>, %arg4: memref<524288xi32, #tpu.memory_space<hbm>>, %arg5: memref<100000x128xf32, #tpu.memory_space<hbm>>, %arg6: memref<65536x128xf32, #tpu.memory_space<hbm>>, %arg7: memref<512x128xf32, #tpu.memory_space<hbm>>, %arg8: memref<65536x128xf32, #tpu.memory_space<hbm>>, %arg9: memref<16512xi32, #tpu.memory_space<vmem>>, %arg10: memref<128x128xf32, #tpu.memory_space<vmem>>, %arg11: memref<128xi32, #tpu.memory_space<vmem>>, %arg12: memref<128xi32, #tpu.memory_space<vmem>>, %arg13: memref<1024xi32, #tpu.memory_space<vmem>>, %arg14: memref<1024xi32, #tpu.memory_space<vmem>>, %arg15: memref<64x128xf32, #tpu.memory_space<vmem>>, %arg16: memref<8x128xf32, #tpu.memory_space<vmem>>, %arg17: memref<1x128xi32, #tpu.memory_space<vmem>>, %arg18: memref<1x64xi32, #tpu.memory_space<vmem>>, %arg19: memref<8264x128xf32, #tpu.memory_space<vmem_shared>>, %arg20: memref<!tpu.dma_semaphore, #tpu.memory_space<semaphore_mem>>, %arg21: memref<!tpu.dma_semaphore, #tpu.memory_space<semaphore_mem>>) attributes {dimension_semantics = [#tpu.dimension_semantics<core_parallel>, #tpu.dimension_semantics<subcore_parallel>], iteration_bounds = array<i64: 2, 16>, scalar_prefetch = 0 : i64, scratch_operands = 13 : i64, tpu.core_type = #tpu.core_type<sc_vector_subcore>, window_params = [{transform_indices = #map}, {transform_indices = #map}, {transform_indices = #map}, {transform_indices = #map1}, {transform_indices = #map1}, {transform_indices = #map1}, {transform_indices = #map1}]} {
    %scan3A = arith.constant 0 : i32
    %scan3A_0 = arith.constant 0 : i32
    %scan3A_1 = arith.constant 64 : i32
    %scan3A_2 = arith.addi %scan3A_0, %scan3A_1 : i32
    %scan3A_3 = arith.constant 1 : i32
    %scan3A_4 = scf.for %scan3A_53 = %scan3A_0 to %scan3A_2 step %scan3A_3 iter_args(%scan3A_54 = %scan3A) -> (i32)  : i32 {
      %broadcast_in_dim3A = arith.constant 0.000000e+00 : f32
      %broadcast_in_dim3A_55 = vector.broadcast %broadcast_in_dim3A : f32 to vector<16xf32>
      %jit3A = arith.constant 8 : i32
      %div3A = arith.divsi %scan3A_53, %jit3A : i32
      %sign3A = arith.constant 0 : i32
      %sign3A_56 = arith.cmpi sgt, %scan3A_53, %sign3A : i32
      %sign3A_57 = arith.extui %sign3A_56 : i1 to i32
      %sign3A_58 = arith.constant 0 : i32
      %sign3A_59 = arith.cmpi slt, %scan3A_53, %sign3A_58 : i32
      %sign3A_60 = arith.extui %sign3A_59 : i1 to i32
      %sign3A_61 = arith.subi %sign3A_57, %sign3A_60 : i32
      %sign3A_62 = arith.constant 0 : i32
      %sign3A_63 = arith.cmpi sgt, %jit3A, %sign3A_62 : i32
      %sign3A_64 = arith.extui %sign3A_63 : i1 to i32
      %sign3A_65 = arith.constant 0 : i32
      %sign3A_66 = arith.cmpi slt, %jit3A, %sign3A_65 : i32
      %sign3A_67 = arith.extui %sign3A_66 : i1 to i32
      %sign3A_68 = arith.subi %sign3A_64, %sign3A_67 : i32
      %ne3A = arith.cmpi ne, %sign3A_61, %sign3A_68 : i32
      %rem3A = arith.remsi %scan3A_53, %jit3A : i32
      %ne3A_69 = arith.constant 0 : i32
      %ne3A_70 = arith.cmpi ne, %rem3A, %ne3A_69 : i32
      %and3A = arith.andi %ne3A, %ne3A_70 : i1
      %sub3A = arith.constant 1 : i32
      %sub3A_71 = arith.subi %div3A, %sub3A : i32
      %select_n3A = arith.select %and3A, %sub3A_71, %div3A : i32
      %jit3A_72 = arith.constant 8 : i32
      %eq3A = arith.constant 0 : i32
      %eq3A_73 = arith.cmpi eq, %jit3A_72, %eq3A : i32
      %jit3A_74 = arith.constant 1 : i32
      %select_n3A_75 = arith.select %eq3A_73, %jit3A_74, %jit3A_72 : i32
      %rem3A_76 = arith.remsi %scan3A_53, %select_n3A_75 : i32
      %ne3A_77 = arith.constant 0 : i32
      %ne3A_78 = arith.cmpi ne, %rem3A_76, %ne3A_77 : i32
      %lt3A = arith.constant 0 : i32
      %lt3A_79 = arith.cmpi slt, %rem3A_76, %lt3A : i32
      %lt3A_80 = arith.constant 0 : i32
      %lt3A_81 = arith.cmpi slt, %select_n3A_75, %lt3A_80 : i32
      %ne3A_82 = arith.xori %lt3A_79, %lt3A_81 : i1
      %and3A_83 = arith.andi %ne3A_82, %ne3A_78 : i1
      %add3A_84 = arith.addi %rem3A_76, %select_n3A_75 : i32
      %select_n3A_85 = arith.select %and3A_83, %add3A_84, %rem3A_76 : i32
      %mul3A_86 = arith.constant 16 : i32
      %mul3A_87 = arith.muli %select_n3A_85, %mul3A_86 : i32
      %swap3A_88 = arith.index_cast %select_n3A : i32 to index
      %swap3A_89 = arith.index_cast %mul3A_87 : i32 to index
      %swap3A_90 = tpu.vector_load %arg16[%swap3A_88, %swap3A_89] {strides = array<i32>} : memref<8x128xf32, #tpu.memory_space<vmem>>, vector<16xf32>,
      tpu.vector_store %arg16[%swap3A_88, %swap3A_89], %broadcast_in_dim3A_55 {strides = array<i32>} : memref<8x128xf32, #tpu.memory_space<vmem>>, vector<16xf32>,
      %scan3A_91 = arith.constant 0 : i32
      scf.yield %scan3A_91 : i32
    }
    %scan3A_5 = arith.constant 64 : i32
    %iota3A = tpu.iota {dimensions = array<i32: 0>} : vector<16xi32>
    %add3A = arith.constant 8200 : i32
    %add3A_6 = vector.broadcast %add3A : i32 to vector<16xi32>
    %add3A_7 = arith.addi %iota3A, %add3A_6 : vector<16xi32>
    %swap3A = arith.constant 0 : i32
    %swap3A_8 = arith.index_cast %swap3A : i32 to index
    %swap3A_9 = arith.constant 0 : index
    %swap3A_10 = tpu.vector_load %arg18[%swap3A_8, %swap3A_9] {strides = array<i32>} : memref<1x64xi32, #tpu.memory_space<vmem>>, vector<16xi32>,
    tpu.vector_store %arg18[%swap3A_8, %swap3A_9], %add3A_7 {strides = array<i32>} : memref<1x64xi32, #tpu.memory_space<vmem>>, vector<16xi32>,
    %iota3A_11 = tpu.iota {dimensions = array<i32: 0>} : vector<16xi32>
    %add3A_12 = arith.constant 8216 : i32
    %add3A_13 = vector.broadcast %add3A_12 : i32 to vector<16xi32>
    %add3A_14 = arith.addi %iota3A_11, %add3A_13 : vector<16xi32>
    %swap3A_15 = arith.constant 0 : i32
    %swap3A_16 = arith.index_cast %swap3A_15 : i32 to index
    %swap3A_17 = arith.constant 16 : index
    %swap3A_18 = tpu.vector_load %arg18[%swap3A_16, %swap3A_17] {strides = array<i32>} : memref<1x64xi32, #tpu.memory_space<vmem>>, vector<16xi32>,
    tpu.vector_store %arg18[%swap3A_16, %swap3A_17], %add3A_14 {strides = array<i32>} : memref<1x64xi32, #tpu.memory_space<vmem>>, vector<16xi32>,
    %iota3A_19 = tpu.iota {dimensions = array<i32: 0>} : vector<16xi32>
    %add3A_20 = arith.constant 8232 : i32
    %add3A_21 = vector.broadcast %add3A_20 : i32 to vector<16xi32>
    %add3A_22 = arith.addi %iota3A_19, %add3A_21 : vector<16xi32>
    %swap3A_23 = arith.constant 0 : i32
    %swap3A_24 = arith.index_cast %swap3A_23 : i32 to index
    %swap3A_25 = arith.constant 32 : index
    %swap3A_26 = tpu.vector_load %arg18[%swap3A_24, %swap3A_25] {strides = array<i32>} : memref<1x64xi32, #tpu.memory_space<vmem>>, vector<16xi32>,
    tpu.vector_store %arg18[%swap3A_24, %swap3A_25], %add3A_22 {strides = array<i32>} : memref<1x64xi32, #tpu.memory_space<vmem>>, vector<16xi32>,
    %iota3A_27 = tpu.iota {dimensions = array<i32: 0>} : vector<16xi32>
    %add3A_28 = arith.constant 8248 : i32
    %add3A_29 = vector.broadcast %add3A_28 : i32 to vector<16xi32>
    %add3A_30 = arith.addi %iota3A_27, %add3A_29 : vector<16xi32>
    %swap3A_31 = arith.constant 0 : i32
    %swap3A_32 = arith.index_cast %swap3A_31 : i32 to index
    %swap3A_33 = arith.constant 48 : index
    %swap3A_34 = tpu.vector_load %arg18[%swap3A_32, %swap3A_33] {strides = array<i32>} : memref<1x64xi32, #tpu.memory_space<vmem>>, vector<16xi32>,
    tpu.vector_store %arg18[%swap3A_32, %swap3A_33], %add3A_30 {strides = array<i32>} : memref<1x64xi32, #tpu.memory_space<vmem>>, vector<16xi32>,
    %mul3A = arith.constant 16 : i32
    %mul3A_35 = arith.muli %arg0, %mul3A : i32
    %add3A_36 = arith.addi %mul3A_35, %arg1 : i32
    %mul3A_37 = arith.constant 2048 : i32
    %mul3A_38 = arith.muli %add3A_36, %mul3A_37 : i32
    %scan3A_39 = arith.constant 0 : i32
    %scan3A_40 = arith.constant 0 : i32
    %scan3A_41 = arith.constant 16 : i32
    %scan3A_42 = arith.addi %scan3A_40, %scan3A_41 : i32
    %scan3A_43 = arith.constant 1 : i32
    %scan3A_44 = scf.for %scan3A_53 = %scan3A_40 to %scan3A_42 step %scan3A_43 iter_args(%scan3A_54 = %scan3A_39) -> (i32)  : i32 {
      %mul3A_55 = arith.constant 128 : i32
      %mul3A_56 = arith.muli %scan3A_53, %mul3A_55 : i32
      %add3A_57 = arith.addi %mul3A_38, %mul3A_56 : i32
      "tpu.region"() ({
        %run_scoped3A = tpu.sem_alloc : memref<!tpu.dma_semaphore, #tpu.memory_space<semaphore_mem>>
        %dma_start3A_63 = tpu.memref_slice %arg2[%add3A_57] : memref<262144xi32, #tpu.memory_space<hbm>> -> memref<128xi32, #tpu.memory_space<hbm>>
        %dma_start3A_64 = tpu.memref_slice %arg2[%add3A_57] : memref<262144xi32, #tpu.memory_space<hbm>> -> memref<128xi32, #tpu.memory_space<hbm>>
        tpu.enqueue_dma source(%dma_start3A_64 : memref<128xi32, #tpu.memory_space<hbm>>) target(%arg11 : memref<128xi32, #tpu.memory_space<vmem>>) target_semaphore(%run_scoped3A : memref<!tpu.dma_semaphore, #tpu.memory_space<semaphore_mem>>)
        %dma_wait3A_65 = tpu.memref_slice %arg2[%add3A_57] : memref<262144xi32, #tpu.memory_space<hbm>> -> memref<128xi32, #tpu.memory_space<hbm>>
        %dma_wait3A_66 = tpu.memref_slice %arg2[%add3A_57] : memref<262144xi32, #tpu.memory_space<hbm>> -> memref<128xi32, #tpu.memory_space<hbm>>
        tpu.wait_dma2 semaphore(%run_scoped3A : memref<!tpu.dma_semaphore, #tpu.memory_space<semaphore_mem>>) src(%dma_wait3A_66 : memref<128xi32, #tpu.memory_space<hbm>>) dst(%arg11 : memref<128xi32, #tpu.memory_space<vmem>>)
        tpu.yield
      }) : () -> ()
      %dma_start3A = arith.constant 0 : i32
      %dma_start3A_58 = arith.constant 0 : i32
      %dma_start3A_59 = tpu.memref_slice %arg5[%dma_start3A, %dma_start3A_58] : memref<100000x128xf32, #tpu.memory_space<hbm>> -> memref<100000x128xf32, #tpu.memory_space<hbm>>
      tpu.enqueue_indirect_dma source(%dma_start3A_59 : memref<100000x128xf32, #tpu.memory_space<hbm>>) target(%arg10 : memref<128x128xf32, #tpu.memory_space<vmem>>) offsets(%arg11 : memref<128xi32, #tpu.memory_space<vmem>>) semaphore(%arg21 : memref<!tpu.dma_semaphore, #tpu.memory_space<semaphore_mem>>)
      %dma_wait3A = arith.constant 0 : i32
      %dma_wait3A_60 = arith.constant 0 : i32
      %dma_wait3A_61 = tpu.memref_slice %arg5[%dma_wait3A, %dma_wait3A_60] : memref<100000x128xf32, #tpu.memory_space<hbm>> -> memref<100000x128xf32, #tpu.memory_space<hbm>>
      tpu.wait_indirect_dma semaphore(%arg21 : memref<!tpu.dma_semaphore, #tpu.memory_space<semaphore_mem>>) src(%dma_wait3A_61 : memref<100000x128xf32, #tpu.memory_space<hbm>>) dst(%arg10 : memref<128x128xf32, #tpu.memory_space<vmem>>)
      "tpu.region"() ({
        %run_scoped3A = tpu.sem_alloc : memref<!tpu.dma_semaphore, #tpu.memory_space<semaphore_mem>>
        %dma_start3A_63 = arith.constant 0 : i32
        %dma_start3A_64 = tpu.memref_slice %arg8[%add3A_57, %dma_start3A_63] : memref<65536x128xf32, #tpu.memory_space<hbm>> -> memref<128x128xf32, #tpu.memory_space<hbm>>
        %dma_start3A_65 = arith.constant 0 : i32
        %dma_start3A_66 = tpu.memref_slice %arg8[%add3A_57, %dma_start3A_65] : memref<65536x128xf32, #tpu.memory_space<hbm>> -> memref<128x128xf32, #tpu.memory_space<hbm>>
        tpu.enqueue_dma source(%arg10 : memref<128x128xf32, #tpu.memory_space<vmem>>) target(%dma_start3A_66 : memref<128x128xf32, #tpu.memory_space<hbm>>) target_semaphore(%run_scoped3A : memref<!tpu.dma_semaphore, #tpu.memory_space<semaphore_mem>>)
        %dma_wait3A_67 = arith.constant 0 : i32
        %dma_wait3A_68 = tpu.memref_slice %arg8[%add3A_57, %dma_wait3A_67] : memref<65536x128xf32, #tpu.memory_space<hbm>> -> memref<128x128xf32, #tpu.memory_space<hbm>>
        %dma_wait3A_69 = arith.constant 0 : i32
        %dma_wait3A_70 = tpu.memref_slice %arg8[%add3A_57, %dma_wait3A_69] : memref<65536x128xf32, #tpu.memory_space<hbm>> -> memref<128x128xf32, #tpu.memory_space<hbm>>
        tpu.wait_dma2 semaphore(%run_scoped3A : memref<!tpu.dma_semaphore, #tpu.memory_space<semaphore_mem>>) src(%arg10 : memref<128x128xf32, #tpu.memory_space<vmem>>) dst(%dma_wait3A_70 : memref<128x128xf32, #tpu.memory_space<hbm>>)
        tpu.yield
      }) : () -> ()
      %scan3A_62 = arith.constant 0 : i32
      scf.yield %scan3A_62 : i32
    }
    %scan3A_45 = arith.constant 16 : i32
    %scan3A_46 = arith.constant 0 : i32
    %scan3A_47 = arith.constant 0 : i32
    %scan3A_48 = arith.constant 4 : i32
    %scan3A_49 = arith.addi %scan3A_47, %scan3A_48 : i32
    %scan3A_50 = arith.constant 1 : i32
    %scan3A_51 = scf.for %scan3A_53 = %scan3A_47 to %scan3A_49 step %scan3A_50 iter_args(%scan3A_54 = %scan3A_46) -> (i32)  : i32 {
      %mul3A_55 = arith.constant 2 : i32
      %mul3A_56 = arith.muli %scan3A_53, %mul3A_55 : i32
      %add3A_57 = arith.addi %mul3A_56, %arg0 : i32
      %mul3A_58 = arith.constant 8192 : i32
      %mul3A_59 = arith.muli %add3A_57, %mul3A_58 : i32
      %scan3A_60 = arith.constant 0 : i32
      %scan3A_61 = arith.constant 0 : i32
      %scan3A_62 = arith.constant 64 : i32
      %scan3A_63 = arith.addi %scan3A_61, %scan3A_62 : i32
      %scan3A_64 = arith.constant 1 : i32
      %scan3A_65 = scf.for %scan3A_96 = %scan3A_61 to %scan3A_63 step %scan3A_64 iter_args(%scan3A_97 = %scan3A_60) -> (i32)  : i32 {
        %mul3A_98 = arith.constant 512 : i32
        %mul3A_99 = arith.muli %arg1, %mul3A_98 : i32
        %mul3A_100 = arith.constant 8 : i32
        %mul3A_101 = arith.muli %scan3A_96, %mul3A_100 : i32
        %add3A_102 = arith.addi %mul3A_99, %mul3A_101 : i32
        "tpu.region"() ({
          %run_scoped3A_104 = tpu.sem_alloc : memref<!tpu.dma_semaphore, #tpu.memory_space<semaphore_mem>>
          %dma_start3A = arith.constant 0 : i32
          %dma_start3A_105 = tpu.memref_slice %arg19[%add3A_102, %dma_start3A] : memref<8264x128xf32, #tpu.memory_space<vmem_shared>> -> memref<8x128xf32, #tpu.memory_space<vmem_shared>>
          %dma_start3A_106 = arith.constant 0 : i32
          %dma_start3A_107 = tpu.memref_slice %arg19[%add3A_102, %dma_start3A_106] : memref<8264x128xf32, #tpu.memory_space<vmem_shared>> -> memref<8x128xf32, #tpu.memory_space<vmem_shared>>
          tpu.enqueue_dma source(%arg16 : memref<8x128xf32, #tpu.memory_space<vmem>>) target(%dma_start3A_107 : memref<8x128xf32, #tpu.memory_space<vmem_shared>>) target_semaphore(%run_scoped3A_104 : memref<!tpu.dma_semaphore, #tpu.memory_space<semaphore_mem>>)
          %dma_wait3A = arith.constant 0 : i32
          %dma_wait3A_108 = tpu.memref_slice %arg19[%add3A_102, %dma_wait3A] : memref<8264x128xf32, #tpu.memory_space<vmem_shared>> -> memref<8x128xf32, #tpu.memory_space<vmem_shared>>
          %dma_wait3A_109 = arith.constant 0 : i32
          %dma_wait3A_110 = tpu.memref_slice %arg19[%add3A_102, %dma_wait3A_109] : memref<8264x128xf32, #tpu.memory_space<vmem_shared>> -> memref<8x128xf32, #tpu.memory_space<vmem_shared>>
          tpu.wait_dma2 semaphore(%run_scoped3A_104 : memref<!tpu.dma_semaphore, #tpu.memory_space<semaphore_mem>>) src(%arg16 : memref<8x128xf32, #tpu.memory_space<vmem>>) dst(%dma_wait3A_110 : memref<8x128xf32, #tpu.memory_space<vmem_shared>>)
          tpu.yield
        }) : () -> ()
        %scan3A_103 = arith.constant 0 : i32
        scf.yield %scan3A_103 : i32
      }
      %scan3A_66 = arith.constant 64 : i32
      %eq3A = arith.constant 0 : i32
      %eq3A_67 = arith.cmpi eq, %arg1, %eq3A : i32
      %convert_element_type3A = arith.extui %eq3A_67 : i1 to i32
      %cond3A = arith.constant 0 : i32
      %cond3A_68 = arith.cmpi ne, %convert_element_type3A, %cond3A : i32
      scf.if %cond3A_68 {
        %scan3A_96 = arith.constant 0 : i32
        %scan3A_97 = arith.constant 0 : i32
        %scan3A_98 = arith.constant 8 : i32
        %scan3A_99 = arith.addi %scan3A_97, %scan3A_98 : i32
        %scan3A_100 = arith.constant 1 : i32
        %scan3A_101 = scf.for %scan3A_103 = %scan3A_97 to %scan3A_99 step %scan3A_100 iter_args(%scan3A_104 = %scan3A_96) -> (i32)  : i32 {
          %mul3A_105 = arith.constant 8 : i32
          %mul3A_106 = arith.muli %scan3A_103, %mul3A_105 : i32
          %add3A_107 = arith.constant 8200 : i32
          %add3A_108 = arith.addi %add3A_107, %mul3A_106 : i32
          "tpu.region"() ({
            %run_scoped3A_110 = tpu.sem_alloc : memref<!tpu.dma_semaphore, #tpu.memory_space<semaphore_mem>>
            %dma_start3A = arith.constant 0 : i32
            %dma_start3A_111 = tpu.memref_slice %arg19[%add3A_108, %dma_start3A] : memref<8264x128xf32, #tpu.memory_space<vmem_shared>> -> memref<8x128xf32, #tpu.memory_space<vmem_shared>>
            %dma_start3A_112 = arith.constant 0 : i32
            %dma_start3A_113 = tpu.memref_slice %arg19[%add3A_108, %dma_start3A_112] : memref<8264x128xf32, #tpu.memory_space<vmem_shared>> -> memref<8x128xf32, #tpu.memory_space<vmem_shared>>
            tpu.enqueue_dma source(%arg16 : memref<8x128xf32, #tpu.memory_space<vmem>>) target(%dma_start3A_113 : memref<8x128xf32, #tpu.memory_space<vmem_shared>>) target_semaphore(%run_scoped3A_110 : memref<!tpu.dma_semaphore, #tpu.memory_space<semaphore_mem>>)
            %dma_wait3A = arith.constant 0 : i32
            %dma_wait3A_114 = tpu.memref_slice %arg19[%add3A_108, %dma_wait3A] : memref<8264x128xf32, #tpu.memory_space<vmem_shared>> -> memref<8x128xf32, #tpu.memory_space<vmem_shared>>
            %dma_wait3A_115 = arith.constant 0 : i32
            %dma_wait3A_116 = tpu.memref_slice %arg19[%add3A_108, %dma_wait3A_115] : memref<8264x128xf32, #tpu.memory_space<vmem_shared>> -> memref<8x128xf32, #tpu.memory_space<vmem_shared>>
            tpu.wait_dma2 semaphore(%run_scoped3A_110 : memref<!tpu.dma_semaphore, #tpu.memory_space<semaphore_mem>>) src(%arg16 : memref<8x128xf32, #tpu.memory_space<vmem>>) dst(%dma_wait3A_116 : memref<8x128xf32, #tpu.memory_space<vmem_shared>>)
            tpu.yield
          }) : () -> ()
          %scan3A_109 = arith.constant 0 : i32
          scf.yield %scan3A_109 : i32
        }
        %scan3A_102 = arith.constant 8 : i32
      } else {
      }
      %scan3A_69 = arith.constant 0 : i32
      %scan3A_70 = arith.constant 0 : i32
      %scan3A_71 = arith.constant 512 : i32
      %scan3A_72 = arith.addi %scan3A_70, %scan3A_71 : i32
      %scan3A_73 = arith.constant 1 : i32
      %scan3A_74 = scf.for %scan3A_96 = %scan3A_70 to %scan3A_72 step %scan3A_73 iter_args(%scan3A_97 = %scan3A_69) -> (i32)  : i32 {
        %broadcast_in_dim3A = arith.constant 0.000000e+00 : f32
        %broadcast_in_dim3A_98 = vector.broadcast %broadcast_in_dim3A : f32 to vector<16xf32>
        %jit3A = arith.constant 8 : i32
        %div3A = arith.divsi %scan3A_96, %jit3A : i32
        %sign3A = arith.constant 0 : i32
        %sign3A_99 = arith.cmpi sgt, %scan3A_96, %sign3A : i32
        %sign3A_100 = arith.extui %sign3A_99 : i1 to i32
        %sign3A_101 = arith.constant 0 : i32
        %sign3A_102 = arith.cmpi slt, %scan3A_96, %sign3A_101 : i32
        %sign3A_103 = arith.extui %sign3A_102 : i1 to i32
        %sign3A_104 = arith.subi %sign3A_100, %sign3A_103 : i32
        %sign3A_105 = arith.constant 0 : i32
        %sign3A_106 = arith.cmpi sgt, %jit3A, %sign3A_105 : i32
        %sign3A_107 = arith.extui %sign3A_106 : i1 to i32
        %sign3A_108 = arith.constant 0 : i32
        %sign3A_109 = arith.cmpi slt, %jit3A, %sign3A_108 : i32
        %sign3A_110 = arith.extui %sign3A_109 : i1 to i32
        %sign3A_111 = arith.subi %sign3A_107, %sign3A_110 : i32
        %ne3A = arith.cmpi ne, %sign3A_104, %sign3A_111 : i32
        %rem3A = arith.remsi %scan3A_96, %jit3A : i32
        %ne3A_112 = arith.constant 0 : i32
        %ne3A_113 = arith.cmpi ne, %rem3A, %ne3A_112 : i32
        %and3A = arith.andi %ne3A, %ne3A_113 : i1
        %sub3A = arith.constant 1 : i32
        %sub3A_114 = arith.subi %div3A, %sub3A : i32
        %select_n3A = arith.select %and3A, %sub3A_114, %div3A : i32
        %jit3A_115 = arith.constant 8 : i32
        %eq3A_116 = arith.constant 0 : i32
        %eq3A_117 = arith.cmpi eq, %jit3A_115, %eq3A_116 : i32
        %jit3A_118 = arith.constant 1 : i32
        %select_n3A_119 = arith.select %eq3A_117, %jit3A_118, %jit3A_115 : i32
        %rem3A_120 = arith.remsi %scan3A_96, %select_n3A_119 : i32
        %ne3A_121 = arith.constant 0 : i32
        %ne3A_122 = arith.cmpi ne, %rem3A_120, %ne3A_121 : i32
        %lt3A = arith.constant 0 : i32
        %lt3A_123 = arith.cmpi slt, %rem3A_120, %lt3A : i32
        %lt3A_124 = arith.constant 0 : i32
        %lt3A_125 = arith.cmpi slt, %select_n3A_119, %lt3A_124 : i32
        %ne3A_126 = arith.xori %lt3A_123, %lt3A_125 : i1
        %and3A_127 = arith.andi %ne3A_126, %ne3A_122 : i1
        %add3A_128 = arith.addi %rem3A_120, %select_n3A_119 : i32
        %select_n3A_129 = arith.select %and3A_127, %add3A_128, %rem3A_120 : i32
        %mul3A_130 = arith.constant 16 : i32
        %mul3A_131 = arith.muli %select_n3A_129, %mul3A_130 : i32
        %swap3A_132 = arith.index_cast %select_n3A : i32 to index
        %swap3A_133 = arith.index_cast %mul3A_131 : i32 to index
        %swap3A_134 = tpu.vector_load %arg15[%swap3A_132, %swap3A_133] {strides = array<i32>} : memref<64x128xf32, #tpu.memory_space<vmem>>, vector<16xf32>,
        tpu.vector_store %arg15[%swap3A_132, %swap3A_133], %broadcast_in_dim3A_98 {strides = array<i32>} : memref<64x128xf32, #tpu.memory_space<vmem>>, vector<16xf32>,
        %scan3A_135 = arith.constant 0 : i32
        scf.yield %scan3A_135 : i32
      }
      %scan3A_75 = arith.constant 512 : i32
      %barrier3A = arith.constant 0 : index
      tpu.barrier barrier_id(%barrier3A)
      %scan3A_76 = arith.constant 0 : i32
      %scan3A_77 = arith.constant 0 : i32
      %scan3A_78 = arith.constant 2 : i32
      %scan3A_79 = arith.addi %scan3A_77, %scan3A_78 : i32
      %scan3A_80 = arith.constant 1 : i32
      %scan3A_81 = scf.for %scan3A_96 = %scan3A_77 to %scan3A_79 step %scan3A_80 iter_args(%scan3A_97 = %scan3A_76) -> (i32)  : i32 {
        %scan3A_98 = arith.constant 0 : i32
        %scan3A_99 = arith.constant 0 : i32
        %scan3A_100 = arith.constant 16 : i32
        %scan3A_101 = arith.addi %scan3A_99, %scan3A_100 : i32
        %scan3A_102 = arith.constant 1 : i32
        %scan3A_103 = scf.for %scan3A_185 = %scan3A_99 to %scan3A_101 step %scan3A_102 iter_args(%scan3A_186 = %scan3A_98) -> (i32)  : i32 {
          %mul3A_187 = arith.constant 32768 : i32
          %mul3A_188 = arith.muli %arg1, %mul3A_187 : i32
          %mul3A_189 = arith.constant 16384 : i32
          %mul3A_190 = arith.muli %scan3A_96, %mul3A_189 : i32
          %add3A_191 = arith.addi %mul3A_188, %mul3A_190 : i32
          %mul3A_192 = arith.constant 1024 : i32
          %mul3A_193 = arith.muli %scan3A_185, %mul3A_192 : i32
          %add3A_194 = arith.addi %add3A_191, %mul3A_193 : i32
          "tpu.region"() ({
            %run_scoped3A_201 = tpu.sem_alloc : memref<!tpu.dma_semaphore, #tpu.memory_space<semaphore_mem>>
            %dma_start3A = tpu.memref_slice %arg3[%add3A_194] : memref<524288xi32, #tpu.memory_space<hbm>> -> memref<1024xi32, #tpu.memory_space<hbm>>
            %dma_start3A_202 = tpu.memref_slice %arg3[%add3A_194] : memref<524288xi32, #tpu.memory_space<hbm>> -> memref<1024xi32, #tpu.memory_space<hbm>>
            tpu.enqueue_dma source(%dma_start3A_202 : memref<1024xi32, #tpu.memory_space<hbm>>) target(%arg13 : memref<1024xi32, #tpu.memory_space<vmem>>) target_semaphore(%run_scoped3A_201 : memref<!tpu.dma_semaphore, #tpu.memory_space<semaphore_mem>>)
            %dma_wait3A = tpu.memref_slice %arg3[%add3A_194] : memref<524288xi32, #tpu.memory_space<hbm>> -> memref<1024xi32, #tpu.memory_space<hbm>>
            %dma_wait3A_203 = tpu.memref_slice %arg3[%add3A_194] : memref<524288xi32, #tpu.memory_space<hbm>> -> memref<1024xi32, #tpu.memory_space<hbm>>
            tpu.wait_dma2 semaphore(%run_scoped3A_201 : memref<!tpu.dma_semaphore, #tpu.memory_space<semaphore_mem>>) src(%dma_wait3A_203 : memref<1024xi32, #tpu.memory_space<hbm>>) dst(%arg13 : memref<1024xi32, #tpu.memory_space<vmem>>)
            tpu.yield
          }) : () -> ()
          "tpu.region"() ({
            %run_scoped3A_201 = tpu.sem_alloc : memref<!tpu.dma_semaphore, #tpu.memory_space<semaphore_mem>>
            %dma_start3A = tpu.memref_slice %arg4[%add3A_194] : memref<524288xi32, #tpu.memory_space<hbm>> -> memref<1024xi32, #tpu.memory_space<hbm>>
            %dma_start3A_202 = tpu.memref_slice %arg4[%add3A_194] : memref<524288xi32, #tpu.memory_space<hbm>> -> memref<1024xi32, #tpu.memory_space<hbm>>
            tpu.enqueue_dma source(%dma_start3A_202 : memref<1024xi32, #tpu.memory_space<hbm>>) target(%arg14 : memref<1024xi32, #tpu.memory_space<vmem>>) target_semaphore(%run_scoped3A_201 : memref<!tpu.dma_semaphore, #tpu.memory_space<semaphore_mem>>)
            %dma_wait3A = tpu.memref_slice %arg4[%add3A_194] : memref<524288xi32, #tpu.memory_space<hbm>> -> memref<1024xi32, #tpu.memory_space<hbm>>
            %dma_wait3A_203 = tpu.memref_slice %arg4[%add3A_194] : memref<524288xi32, #tpu.memory_space<hbm>> -> memref<1024xi32, #tpu.memory_space<hbm>>
            tpu.wait_dma2 semaphore(%run_scoped3A_201 : memref<!tpu.dma_semaphore, #tpu.memory_space<semaphore_mem>>) src(%dma_wait3A_203 : memref<1024xi32, #tpu.memory_space<hbm>>) dst(%arg14 : memref<1024xi32, #tpu.memory_space<vmem>>)
            tpu.yield
          }) : () -> ()
          %scan3A_195 = arith.constant 0 : i32
          %scan3A_196 = arith.constant 64 : i32
          %scan3A_197 = arith.addi %scan3A_195, %scan3A_196 : i32
          %scan3A_198 = arith.constant 1 : i32
          %scan3A_199 = scf.for %scan3A_201 = %scan3A_195 to %scan3A_197 step %scan3A_198 iter_args(%scan3A_202 = %scan3A_186) -> (i32)  : i32 {
            %mul3A_203 = arith.constant 16 : i32
            %mul3A_204 = arith.muli %scan3A_201, %mul3A_203 : i32
            %get3A = arith.index_cast %mul3A_204 : i32 to index
            %get3A_205 = tpu.vector_load %arg13[%get3A] {strides = array<i32>} : memref<1024xi32, #tpu.memory_space<vmem>>, vector<16xi32>,
            %mul3A_206 = arith.constant 16 : i32
            %mul3A_207 = arith.muli %scan3A_201, %mul3A_206 : i32
            %get3A_208 = arith.index_cast %mul3A_207 : i32 to index
            %get3A_209 = tpu.vector_load %arg14[%get3A_208] {strides = array<i32>} : memref<1024xi32, #tpu.memory_space<vmem>>, vector<16xi32>,
            %shift_right_logical3A = arith.constant 13 : i32
            %shift_right_logical3A_210 = vector.broadcast %shift_right_logical3A : i32 to vector<16xi32>
            %shift_right_logical3A_211 = arith.shrui %get3A_209, %shift_right_logical3A_210 : vector<16xi32>
            %eq3A_212 = vector.broadcast %add3A_57 : i32 to vector<16xi32>
            %eq3A_213 = arith.cmpi eq, %shift_right_logical3A_211, %eq3A_212 : vector<16xi32>
            %and3A_214 = arith.constant 8191 : i32
            %and3A_215 = vector.broadcast %and3A_214 : i32 to vector<16xi32>
            %and3A_216 = arith.andi %get3A_209, %and3A_215 : vector<16xi32>
            %shift_right_logical3A_217 = arith.constant 7 : i32
            %shift_right_logical3A_218 = vector.broadcast %shift_right_logical3A_217 : i32 to vector<16xi32>
            %shift_right_logical3A_219 = arith.shrui %and3A_216, %shift_right_logical3A_218 : vector<16xi32>
            %and3A_220 = arith.constant 127 : i32
            %and3A_221 = vector.broadcast %and3A_220 : i32 to vector<16xi32>
            %and3A_222 = arith.andi %and3A_216, %and3A_221 : vector<16xi32>
            %broadcast_in_dim3A_223 = arith.constant 1.000000e+00 : f32
            %broadcast_in_dim3A_224 = vector.broadcast %broadcast_in_dim3A_223 : f32 to vector<16xf32>
            tpu.vector_store_idx %arg15[%shift_right_logical3A_219, %and3A_222], %broadcast_in_dim3A_224 masked %eq3A_213 {add = true} : memref<64x128xf32, #tpu.memory_space<vmem>>[vector<16xi32>, vector<16xi32>], vector<16xf32>, vector<16xi1>
            %convert_element_type3A_225 = arith.extui %eq3A_213 : vector<16xi1> to vector<16xi32>
            %broadcast_in_dim3A_226 = arith.constant true
            %broadcast_in_dim3A_227 = vector.broadcast %broadcast_in_dim3A_226 : i1 to vector<16xi1>
            %masked_cumsum3A = tpu.scan <sum>, %convert_element_type3A_225 masked %broadcast_in_dim3A_227 : vector<16xi32>, vector<16xi1> -> vector<16xi32>
            %add3A_228 = vector.broadcast %scan3A_202 : i32 to vector<16xi32>
            %add3A_229 = arith.addi %add3A_228, %masked_cumsum3A : vector<16xi32>
            %sub3A_230 = arith.constant 1 : i32
            %sub3A_231 = vector.broadcast %sub3A_230 : i32 to vector<16xi32>
            %sub3A_232 = arith.subi %add3A_229, %sub3A_231 : vector<16xi32>
            %max3A = arith.constant 0 : i32
            %max3A_233 = vector.broadcast %max3A : i32 to vector<16xi32>
            %max3A_234 = arith.maxsi %sub3A_232, %max3A_233 : vector<16xi32>
            %shift_left3A = arith.constant 18 : i32
            %shift_left3A_235 = vector.broadcast %shift_left3A : i32 to vector<16xi32>
            %shift_left3A_236 = arith.shli %and3A_216, %shift_left3A_235 : vector<16xi32>
            %or3A = arith.ori %shift_left3A_236, %get3A_205 : vector<16xi32>
            tpu.vector_store_idx %arg9[%max3A_234], %or3A masked %eq3A_213 : memref<16512xi32, #tpu.memory_space<vmem>>[vector<16xi32>], vector<16xi32>, vector<16xi1>
            %convert_element_type3A_237 = arith.extui %eq3A_213 : vector<16xi1> to vector<16xi32>
            %reduce_sum3A = arith.constant true
            %reduce_sum3A_238 = vector.broadcast %reduce_sum3A : i1 to vector<16xi1>
            %reduce_sum3A_239 = tpu.scan <sum>, %convert_element_type3A_237 masked %reduce_sum3A_238 : vector<16xi32>, vector<16xi1> -> vector<16xi32>
            %reduce_sum3A_240 = vector.extract %reduce_sum3A_239[15] : i32 from vector<16xi32>
            %add3A_241 = arith.addi %scan3A_202, %reduce_sum3A_240 : i32
            scf.yield %add3A_241 : i32
          }
          %scan3A_200 = arith.constant 64 : i32
          scf.yield %scan3A_199 : i32
        }
        %scan3A_104 = arith.constant 16 : i32
        %iota3A_105 = tpu.iota {dimensions = array<i32: 0>} : vector<16xi32>
        %add3A_106 = arith.constant 0 : i32
        %add3A_107 = arith.addi %scan3A_103, %add3A_106 : i32
        %add3A_108 = vector.broadcast %add3A_107 : i32 to vector<16xi32>
        %add3A_109 = arith.addi %add3A_108, %iota3A_105 : vector<16xi32>
        %broadcast_in_dim3A = arith.constant -2147483648 : i32
        %broadcast_in_dim3A_110 = vector.broadcast %broadcast_in_dim3A : i32 to vector<16xi32>
        tpu.vector_store_idx %arg9[%add3A_109], %broadcast_in_dim3A_110 : memref<16512xi32, #tpu.memory_space<vmem>>[vector<16xi32>], vector<16xi32>,
        %add3A_111 = arith.constant 16 : i32
        %add3A_112 = arith.addi %scan3A_103, %add3A_111 : i32
        %add3A_113 = vector.broadcast %add3A_112 : i32 to vector<16xi32>
        %add3A_114 = arith.addi %add3A_113, %iota3A_105 : vector<16xi32>
        %broadcast_in_dim3A_115 = arith.constant -2147483648 : i32
        %broadcast_in_dim3A_116 = vector.broadcast %broadcast_in_dim3A_115 : i32 to vector<16xi32>
        tpu.vector_store_idx %arg9[%add3A_114], %broadcast_in_dim3A_116 : memref<16512xi32, #tpu.memory_space<vmem>>[vector<16xi32>], vector<16xi32>,
        %add3A_117 = arith.constant 32 : i32
        %add3A_118 = arith.addi %scan3A_103, %add3A_117 : i32
        %add3A_119 = vector.broadcast %add3A_118 : i32 to vector<16xi32>
        %add3A_120 = arith.addi %add3A_119, %iota3A_105 : vector<16xi32>
        %broadcast_in_dim3A_121 = arith.constant -2147483648 : i32
        %broadcast_in_dim3A_122 = vector.broadcast %broadcast_in_dim3A_121 : i32 to vector<16xi32>
        tpu.vector_store_idx %arg9[%add3A_120], %broadcast_in_dim3A_122 : memref<16512xi32, #tpu.memory_space<vmem>>[vector<16xi32>], vector<16xi32>,
        %add3A_123 = arith.constant 48 : i32
        %add3A_124 = arith.addi %scan3A_103, %add3A_123 : i32
        %add3A_125 = vector.broadcast %add3A_124 : i32 to vector<16xi32>
        %add3A_126 = arith.addi %add3A_125, %iota3A_105 : vector<16xi32>
        %broadcast_in_dim3A_127 = arith.constant -2147483648 : i32
        %broadcast_in_dim3A_128 = vector.broadcast %broadcast_in_dim3A_127 : i32 to vector<16xi32>
        tpu.vector_store_idx %arg9[%add3A_126], %broadcast_in_dim3A_128 : memref<16512xi32, #tpu.memory_space<vmem>>[vector<16xi32>], vector<16xi32>,
        %add3A_129 = arith.constant 64 : i32
        %add3A_130 = arith.addi %scan3A_103, %add3A_129 : i32
        %add3A_131 = vector.broadcast %add3A_130 : i32 to vector<16xi32>
        %add3A_132 = arith.addi %add3A_131, %iota3A_105 : vector<16xi32>
        %broadcast_in_dim3A_133 = arith.constant -2147483648 : i32
        %broadcast_in_dim3A_134 = vector.broadcast %broadcast_in_dim3A_133 : i32 to vector<16xi32>
        tpu.vector_store_idx %arg9[%add3A_132], %broadcast_in_dim3A_134 : memref<16512xi32, #tpu.memory_space<vmem>>[vector<16xi32>], vector<16xi32>,
        %add3A_135 = arith.constant 80 : i32
        %add3A_136 = arith.addi %scan3A_103, %add3A_135 : i32
        %add3A_137 = vector.broadcast %add3A_136 : i32 to vector<16xi32>
        %add3A_138 = arith.addi %add3A_137, %iota3A_105 : vector<16xi32>
        %broadcast_in_dim3A_139 = arith.constant -2147483648 : i32
        %broadcast_in_dim3A_140 = vector.broadcast %broadcast_in_dim3A_139 : i32 to vector<16xi32>
        tpu.vector_store_idx %arg9[%add3A_138], %broadcast_in_dim3A_140 : memref<16512xi32, #tpu.memory_space<vmem>>[vector<16xi32>], vector<16xi32>,
        %add3A_141 = arith.constant 96 : i32
        %add3A_142 = arith.addi %scan3A_103, %add3A_141 : i32
        %add3A_143 = vector.broadcast %add3A_142 : i32 to vector<16xi32>
        %add3A_144 = arith.addi %add3A_143, %iota3A_105 : vector<16xi32>
        %broadcast_in_dim3A_145 = arith.constant -2147483648 : i32
        %broadcast_in_dim3A_146 = vector.broadcast %broadcast_in_dim3A_145 : i32 to vector<16xi32>
        tpu.vector_store_idx %arg9[%add3A_144], %broadcast_in_dim3A_146 : memref<16512xi32, #tpu.memory_space<vmem>>[vector<16xi32>], vector<16xi32>,
        %add3A_147 = arith.constant 112 : i32
        %add3A_148 = arith.addi %scan3A_103, %add3A_147 : i32
        %add3A_149 = vector.broadcast %add3A_148 : i32 to vector<16xi32>
        %add3A_150 = arith.addi %add3A_149, %iota3A_105 : vector<16xi32>
        %broadcast_in_dim3A_151 = arith.constant -2147483648 : i32
        %broadcast_in_dim3A_152 = vector.broadcast %broadcast_in_dim3A_151 : i32 to vector<16xi32>
        tpu.vector_store_idx %arg9[%add3A_150], %broadcast_in_dim3A_152 : memref<16512xi32, #tpu.memory_space<vmem>>[vector<16xi32>], vector<16xi32>,
        %add3A_153 = arith.constant 128 : i32
        %add3A_154 = arith.addi %scan3A_103, %add3A_153 : i32
        %sub3A = arith.constant 1 : i32
        %sub3A_155 = arith.subi %add3A_154, %sub3A : i32
        %jit3A = arith.constant 128 : i32
        %div3A = arith.divsi %sub3A_155, %jit3A : i32
        %sign3A = arith.constant 0 : i32
        %sign3A_156 = arith.cmpi sgt, %sub3A_155, %sign3A : i32
        %sign3A_157 = arith.extui %sign3A_156 : i1 to i32
        %sign3A_158 = arith.constant 0 : i32
        %sign3A_159 = arith.cmpi slt, %sub3A_155, %sign3A_158 : i32
        %sign3A_160 = arith.extui %sign3A_159 : i1 to i32
        %sign3A_161 = arith.subi %sign3A_157, %sign3A_160 : i32
        %sign3A_162 = arith.constant 0 : i32
        %sign3A_163 = arith.cmpi sgt, %jit3A, %sign3A_162 : i32
        %sign3A_164 = arith.extui %sign3A_163 : i1 to i32
        %sign3A_165 = arith.constant 0 : i32
        %sign3A_166 = arith.cmpi slt, %jit3A, %sign3A_165 : i32
        %sign3A_167 = arith.extui %sign3A_166 : i1 to i32
        %sign3A_168 = arith.subi %sign3A_164, %sign3A_167 : i32
        %ne3A = arith.cmpi ne, %sign3A_161, %sign3A_168 : i32
        %rem3A = arith.remsi %sub3A_155, %jit3A : i32
        %ne3A_169 = arith.constant 0 : i32
        %ne3A_170 = arith.cmpi ne, %rem3A, %ne3A_169 : i32
        %and3A = arith.andi %ne3A, %ne3A_170 : i1
        %sub3A_171 = arith.constant 1 : i32
        %sub3A_172 = arith.subi %div3A, %sub3A_171 : i32
        %select_n3A = arith.select %and3A, %sub3A_172, %div3A : i32
        %while3A = arith.constant 0 : i32
        %while3A_173 = arith.constant 0 : i32
        %while3A_174 = arith.subi %select_n3A, %while3A : i32
        %while3A_175 = arith.addi %while3A, %while3A_174 : i32
        %while3A_176 = arith.constant 1 : i32
        %while3A_177 = arith.divsi %while3A_174, %while3A_176 : i32
        %while3A_178 = arith.muli %while3A_177, %while3A_176 : i32
        %while3A_179 = arith.addi %while3A, %while3A_178 : i32
        %while3A_180 = arith.constant 1 : i32
        %while3A_181 = scf.for %while3A_185 = %while3A to %while3A_179 step %while3A_180 iter_args(%while3A_186 = %while3A_173) -> (i32)  : i32 {
          %mul3A_187 = arith.constant 128 : i32
          %mul3A_188 = arith.muli %while3A_185, %mul3A_187 : i32
          %add3A_189 = arith.constant 0 : i32
          %add3A_190 = arith.addi %mul3A_188, %add3A_189 : i32
          %get3A = arith.index_cast %add3A_190 : i32 to index
          %get3A_191 = tpu.vector_load %arg9[%get3A] {strides = array<i32>} : memref<16512xi32, #tpu.memory_space<vmem>>, vector<16xi32>,
          %and3A_192 = arith.constant 262143 : i32
          %and3A_193 = vector.broadcast %and3A_192 : i32 to vector<16xi32>
          %and3A_194 = arith.andi %get3A_191, %and3A_193 : vector<16xi32>
          %swap3A_195 = arith.constant 0 : index
          %swap3A_196 = tpu.vector_load %arg12[%swap3A_195] {strides = array<i32>} : memref<128xi32, #tpu.memory_space<vmem>>, vector<16xi32>,
          tpu.vector_store %arg12[%swap3A_195], %and3A_194 {strides = array<i32>} : memref<128xi32, #tpu.memory_space<vmem>>, vector<16xi32>,
          %shift_right_logical3A = arith.constant 18 : i32
          %shift_right_logical3A_197 = vector.broadcast %shift_right_logical3A : i32 to vector<16xi32>
          %shift_right_logical3A_198 = arith.shrui %get3A_191, %shift_right_logical3A_197 : vector<16xi32>
          %swap3A_199 = arith.constant 0 : i32
          %swap3A_200 = arith.index_cast %swap3A_199 : i32 to index
          %swap3A_201 = arith.constant 0 : index
          %swap3A_202 = tpu.vector_load %arg17[%swap3A_200, %swap3A_201] {strides = array<i32>} : memref<1x128xi32, #tpu.memory_space<vmem>>, vector<16xi32>,
          tpu.vector_store %arg17[%swap3A_200, %swap3A_201], %shift_right_logical3A_198 {strides = array<i32>} : memref<1x128xi32, #tpu.memory_space<vmem>>, vector<16xi32>,
          %add3A_203 = arith.constant 16 : i32
          %add3A_204 = arith.addi %mul3A_188, %add3A_203 : i32
          %get3A_205 = arith.index_cast %add3A_204 : i32 to index
          %get3A_206 = tpu.vector_load %arg9[%get3A_205] {strides = array<i32>} : memref<16512xi32, #tpu.memory_space<vmem>>, vector<16xi32>,
          %and3A_207 = arith.constant 262143 : i32
          %and3A_208 = vector.broadcast %and3A_207 : i32 to vector<16xi32>
          %and3A_209 = arith.andi %get3A_206, %and3A_208 : vector<16xi32>
          %swap3A_210 = arith.constant 16 : index
          %swap3A_211 = tpu.vector_load %arg12[%swap3A_210] {strides = array<i32>} : memref<128xi32, #tpu.memory_space<vmem>>, vector<16xi32>,
          tpu.vector_store %arg12[%swap3A_210], %and3A_209 {strides = array<i32>} : memref<128xi32, #tpu.memory_space<vmem>>, vector<16xi32>,
          %shift_right_logical3A_212 = arith.constant 18 : i32
          %shift_right_logical3A_213 = vector.broadcast %shift_right_logical3A_212 : i32 to vector<16xi32>
          %shift_right_logical3A_214 = arith.shrui %get3A_206, %shift_right_logical3A_213 : vector<16xi32>
          %swap3A_215 = arith.constant 0 : i32
          %swap3A_216 = arith.index_cast %swap3A_215 : i32 to index
          %swap3A_217 = arith.constant 16 : index
          %swap3A_218 = tpu.vector_load %arg17[%swap3A_216, %swap3A_217] {strides = array<i32>} : memref<1x128xi32, #tpu.memory_space<vmem>>, vector<16xi32>,
          tpu.vector_store %arg17[%swap3A_216, %swap3A_217], %shift_right_logical3A_214 {strides = array<i32>} : memref<1x128xi32, #tpu.memory_space<vmem>>, vector<16xi32>,
          %add3A_219 = arith.constant 32 : i32
          %add3A_220 = arith.addi %mul3A_188, %add3A_219 : i32
          %get3A_221 = arith.index_cast %add3A_220 : i32 to index
          %get3A_222 = tpu.vector_load %arg9[%get3A_221] {strides = array<i32>} : memref<16512xi32, #tpu.memory_space<vmem>>, vector<16xi32>,
          %and3A_223 = arith.constant 262143 : i32
          %and3A_224 = vector.broadcast %and3A_223 : i32 to vector<16xi32>
          %and3A_225 = arith.andi %get3A_222, %and3A_224 : vector<16xi32>
          %swap3A_226 = arith.constant 32 : index
          %swap3A_227 = tpu.vector_load %arg12[%swap3A_226] {strides = array<i32>} : memref<128xi32, #tpu.memory_space<vmem>>, vector<16xi32>,
          tpu.vector_store %arg12[%swap3A_226], %and3A_225 {strides = array<i32>} : memref<128xi32, #tpu.memory_space<vmem>>, vector<16xi32>,
          %shift_right_logical3A_228 = arith.constant 18 : i32
          %shift_right_logical3A_229 = vector.broadcast %shift_right_logical3A_228 : i32 to vector<16xi32>
          %shift_right_logical3A_230 = arith.shrui %get3A_222, %shift_right_logical3A_229 : vector<16xi32>
          %swap3A_231 = arith.constant 0 : i32
          %swap3A_232 = arith.index_cast %swap3A_231 : i32 to index
          %swap3A_233 = arith.constant 32 : index
          %swap3A_234 = tpu.vector_load %arg17[%swap3A_232, %swap3A_233] {strides = array<i32>} : memref<1x128xi32, #tpu.memory_space<vmem>>, vector<16xi32>,
          tpu.vector_store %arg17[%swap3A_232, %swap3A_233], %shift_right_logical3A_230 {strides = array<i32>} : memref<1x128xi32, #tpu.memory_space<vmem>>, vector<16xi32>,
          %add3A_235 = arith.constant 48 : i32
          %add3A_236 = arith.addi %mul3A_188, %add3A_235 : i32
          %get3A_237 = arith.index_cast %add3A_236 : i32 to index
          %get3A_238 = tpu.vector_load %arg9[%get3A_237] {strides = array<i32>} : memref<16512xi32, #tpu.memory_space<vmem>>, vector<16xi32>,
          %and3A_239 = arith.constant 262143 : i32
          %and3A_240 = vector.broadcast %and3A_239 : i32 to vector<16xi32>
          %and3A_241 = arith.andi %get3A_238, %and3A_240 : vector<16xi32>
          %swap3A_242 = arith.constant 48 : index
          %swap3A_243 = tpu.vector_load %arg12[%swap3A_242] {strides = array<i32>} : memref<128xi32, #tpu.memory_space<vmem>>, vector<16xi32>,
          tpu.vector_store %arg12[%swap3A_242], %and3A_241 {strides = array<i32>} : memref<128xi32, #tpu.memory_space<vmem>>, vector<16xi32>,
          %shift_right_logical3A_244 = arith.constant 18 : i32
          %shift_right_logical3A_245 = vector.broadcast %shift_right_logical3A_244 : i32 to vector<16xi32>
          %shift_right_logical3A_246 = arith.shrui %get3A_238, %shift_right_logical3A_245 : vector<16xi32>
          %swap3A_247 = arith.constant 0 : i32
          %swap3A_248 = arith.index_cast %swap3A_247 : i32 to index
          %swap3A_249 = arith.constant 48 : index
          %swap3A_250 = tpu.vector_load %arg17[%swap3A_248, %swap3A_249] {strides = array<i32>} : memref<1x128xi32, #tpu.memory_space<vmem>>, vector<16xi32>,
          tpu.vector_store %arg17[%swap3A_248, %swap3A_249], %shift_right_logical3A_246 {strides = array<i32>} : memref<1x128xi32, #tpu.memory_space<vmem>>, vector<16xi32>,
          %add3A_251 = arith.constant 64 : i32
          %add3A_252 = arith.addi %mul3A_188, %add3A_251 : i32
          %get3A_253 = arith.index_cast %add3A_252 : i32 to index
          %get3A_254 = tpu.vector_load %arg9[%get3A_253] {strides = array<i32>} : memref<16512xi32, #tpu.memory_space<vmem>>, vector<16xi32>,
          %and3A_255 = arith.constant 262143 : i32
          %and3A_256 = vector.broadcast %and3A_255 : i32 to vector<16xi32>
          %and3A_257 = arith.andi %get3A_254, %and3A_256 : vector<16xi32>
          %swap3A_258 = arith.constant 64 : index
          %swap3A_259 = tpu.vector_load %arg12[%swap3A_258] {strides = array<i32>} : memref<128xi32, #tpu.memory_space<vmem>>, vector<16xi32>,
          tpu.vector_store %arg12[%swap3A_258], %and3A_257 {strides = array<i32>} : memref<128xi32, #tpu.memory_space<vmem>>, vector<16xi32>,
          %shift_right_logical3A_260 = arith.constant 18 : i32
          %shift_right_logical3A_261 = vector.broadcast %shift_right_logical3A_260 : i32 to vector<16xi32>
          %shift_right_logical3A_262 = arith.shrui %get3A_254, %shift_right_logical3A_261 : vector<16xi32>
          %swap3A_263 = arith.constant 0 : i32
          %swap3A_264 = arith.index_cast %swap3A_263 : i32 to index
          %swap3A_265 = arith.constant 64 : index
          %swap3A_266 = tpu.vector_load %arg17[%swap3A_264, %swap3A_265] {strides = array<i32>} : memref<1x128xi32, #tpu.memory_space<vmem>>, vector<16xi32>,
          tpu.vector_store %arg17[%swap3A_264, %swap3A_265], %shift_right_logical3A_262 {strides = array<i32>} : memref<1x128xi32, #tpu.memory_space<vmem>>, vector<16xi32>,
          %add3A_267 = arith.constant 80 : i32
          %add3A_268 = arith.addi %mul3A_188, %add3A_267 : i32
          %get3A_269 = arith.index_cast %add3A_268 : i32 to index
          %get3A_270 = tpu.vector_load %arg9[%get3A_269] {strides = array<i32>} : memref<16512xi32, #tpu.memory_space<vmem>>, vector<16xi32>,
          %and3A_271 = arith.constant 262143 : i32
          %and3A_272 = vector.broadcast %and3A_271 : i32 to vector<16xi32>
          %and3A_273 = arith.andi %get3A_270, %and3A_272 : vector<16xi32>
          %swap3A_274 = arith.constant 80 : index
          %swap3A_275 = tpu.vector_load %arg12[%swap3A_274] {strides = array<i32>} : memref<128xi32, #tpu.memory_space<vmem>>, vector<16xi32>,
          tpu.vector_store %arg12[%swap3A_274], %and3A_273 {strides = array<i32>} : memref<128xi32, #tpu.memory_space<vmem>>, vector<16xi32>,
          %shift_right_logical3A_276 = arith.constant 18 : i32
          %shift_right_logical3A_277 = vector.broadcast %shift_right_logical3A_276 : i32 to vector<16xi32>
          %shift_right_logical3A_278 = arith.shrui %get3A_270, %shift_right_logical3A_277 : vector<16xi32>
          %swap3A_279 = arith.constant 0 : i32
          %swap3A_280 = arith.index_cast %swap3A_279 : i32 to index
          %swap3A_281 = arith.constant 80 : index
          %swap3A_282 = tpu.vector_load %arg17[%swap3A_280, %swap3A_281] {strides = array<i32>} : memref<1x128xi32, #tpu.memory_space<vmem>>, vector<16xi32>,
          tpu.vector_store %arg17[%swap3A_280, %swap3A_281], %shift_right_logical3A_278 {strides = array<i32>} : memref<1x128xi32, #tpu.memory_space<vmem>>, vector<16xi32>,
          %add3A_283 = arith.constant 96 : i32
          %add3A_284 = arith.addi %mul3A_188, %add3A_283 : i32
          %get3A_285 = arith.index_cast %add3A_284 : i32 to index
          %get3A_286 = tpu.vector_load %arg9[%get3A_285] {strides = array<i32>} : memref<16512xi32, #tpu.memory_space<vmem>>, vector<16xi32>,
          %and3A_287 = arith.constant 262143 : i32
          %and3A_288 = vector.broadcast %and3A_287 : i32 to vector<16xi32>
          %and3A_289 = arith.andi %get3A_286, %and3A_288 : vector<16xi32>
          %swap3A_290 = arith.constant 96 : index
          %swap3A_291 = tpu.vector_load %arg12[%swap3A_290] {strides = array<i32>} : memref<128xi32, #tpu.memory_space<vmem>>, vector<16xi32>,
          tpu.vector_store %arg12[%swap3A_290], %and3A_289 {strides = array<i32>} : memref<128xi32, #tpu.memory_space<vmem>>, vector<16xi32>,
          %shift_right_logical3A_292 = arith.constant 18 : i32
          %shift_right_logical3A_293 = vector.broadcast %shift_right_logical3A_292 : i32 to vector<16xi32>
          %shift_right_logical3A_294 = arith.shrui %get3A_286, %shift_right_logical3A_293 : vector<16xi32>
          %swap3A_295 = arith.constant 0 : i32
          %swap3A_296 = arith.index_cast %swap3A_295 : i32 to index
          %swap3A_297 = arith.constant 96 : index
          %swap3A_298 = tpu.vector_load %arg17[%swap3A_296, %swap3A_297] {strides = array<i32>} : memref<1x128xi32, #tpu.memory_space<vmem>>, vector<16xi32>,
          tpu.vector_store %arg17[%swap3A_296, %swap3A_297], %shift_right_logical3A_294 {strides = array<i32>} : memref<1x128xi32, #tpu.memory_space<vmem>>, vector<16xi32>,
          %add3A_299 = arith.constant 112 : i32
          %add3A_300 = arith.addi %mul3A_188, %add3A_299 : i32
          %get3A_301 = arith.index_cast %add3A_300 : i32 to index
          %get3A_302 = tpu.vector_load %arg9[%get3A_301] {strides = array<i32>} : memref<16512xi32, #tpu.memory_space<vmem>>, vector<16xi32>,
          %and3A_303 = arith.constant 262143 : i32
          %and3A_304 = vector.broadcast %and3A_303 : i32 to vector<16xi32>
          %and3A_305 = arith.andi %get3A_302, %and3A_304 : vector<16xi32>
          %swap3A_306 = arith.constant 112 : index
          %swap3A_307 = tpu.vector_load %arg12[%swap3A_306] {strides = array<i32>} : memref<128xi32, #tpu.memory_space<vmem>>, vector<16xi32>,
          tpu.vector_store %arg12[%swap3A_306], %and3A_305 {strides = array<i32>} : memref<128xi32, #tpu.memory_space<vmem>>, vector<16xi32>,
          %shift_right_logical3A_308 = arith.constant 18 : i32
          %shift_right_logical3A_309 = vector.broadcast %shift_right_logical3A_308 : i32 to vector<16xi32>
          %shift_right_logical3A_310 = arith.shrui %get3A_302, %shift_right_logical3A_309 : vector<16xi32>
          %swap3A_311 = arith.constant 0 : i32
          %swap3A_312 = arith.index_cast %swap3A_311 : i32 to index
          %swap3A_313 = arith.constant 112 : index
          %swap3A_314 = tpu.vector_load %arg17[%swap3A_312, %swap3A_313] {strides = array<i32>} : memref<1x128xi32, #tpu.memory_space<vmem>>, vector<16xi32>,
          tpu.vector_store %arg17[%swap3A_312, %swap3A_313], %shift_right_logical3A_310 {strides = array<i32>} : memref<1x128xi32, #tpu.memory_space<vmem>>, vector<16xi32>,
          %dma_start3A = arith.constant 0 : i32
          %dma_start3A_315 = tpu.memref_slice %arg2[%dma_start3A] : memref<262144xi32, #tpu.memory_space<hbm>> -> memref<262144xi32, #tpu.memory_space<hbm>>
          tpu.enqueue_indirect_dma source(%dma_start3A_315 : memref<262144xi32, #tpu.memory_space<hbm>>) target(%arg11 : memref<128xi32, #tpu.memory_space<vmem>>) offsets(%arg12 : memref<128xi32, #tpu.memory_space<vmem>>) semaphore(%arg20 : memref<!tpu.dma_semaphore, #tpu.memory_space<semaphore_mem>>)
          %dma_wait3A = arith.constant 0 : i32
          %dma_wait3A_316 = tpu.memref_slice %arg2[%dma_wait3A] : memref<262144xi32, #tpu.memory_space<hbm>> -> memref<262144xi32, #tpu.memory_space<hbm>>
          tpu.wait_indirect_dma semaphore(%arg20 : memref<!tpu.dma_semaphore, #tpu.memory_space<semaphore_mem>>) src(%dma_wait3A_316 : memref<262144xi32, #tpu.memory_space<hbm>>) dst(%arg11 : memref<128xi32, #tpu.memory_space<vmem>>)
          %dma_start3A_317 = arith.constant 0 : i32
          %dma_start3A_318 = arith.constant 0 : i32
          %dma_start3A_319 = tpu.memref_slice %arg5[%dma_start3A_317, %dma_start3A_318] : memref<100000x128xf32, #tpu.memory_space<hbm>> -> memref<100000x128xf32, #tpu.memory_space<hbm>>
          tpu.enqueue_indirect_dma source(%dma_start3A_319 : memref<100000x128xf32, #tpu.memory_space<hbm>>) target(%arg10 : memref<128x128xf32, #tpu.memory_space<vmem>>) offsets(%arg11 : memref<128xi32, #tpu.memory_space<vmem>>) semaphore(%arg21 : memref<!tpu.dma_semaphore, #tpu.memory_space<semaphore_mem>>)
          %dma_wait3A_320 = arith.constant 0 : i32
          %dma_wait3A_321 = arith.constant 0 : i32
          %dma_wait3A_322 = tpu.memref_slice %arg5[%dma_wait3A_320, %dma_wait3A_321] : memref<100000x128xf32, #tpu.memory_space<hbm>> -> memref<100000x128xf32, #tpu.memory_space<hbm>>
          tpu.wait_indirect_dma semaphore(%arg21 : memref<!tpu.dma_semaphore, #tpu.memory_space<semaphore_mem>>) src(%dma_wait3A_322 : memref<100000x128xf32, #tpu.memory_space<hbm>>) dst(%arg10 : memref<128x128xf32, #tpu.memory_space<vmem>>)
          %run_scoped3A_323 = arith.constant 0 : i32
          "tpu.region"() ({
            %run_scoped3A_325 = tpu.sem_alloc : memref<!tpu.dma_semaphore, #tpu.memory_space<semaphore_mem>>
            %dma_start3A_326 = arith.constant 0 : i32
            %dma_start3A_327 = tpu.memref_slice %arg17[%run_scoped3A_323, %dma_start3A_326] : memref<1x128xi32, #tpu.memory_space<vmem>> -> memref<1x128xi32, #tpu.memory_space<vmem>>
            %dma_start3A_328 = tpu.memref_squeeze %dma_start3A_327 : memref<1x128xi32, #tpu.memory_space<vmem>> -> memref<128xi32, #tpu.memory_space<vmem>>
            %dma_start3A_329 = arith.constant 0 : i32
            %dma_start3A_330 = arith.constant 0 : i32
            %dma_start3A_331 = tpu.memref_slice %arg19[%dma_start3A_329, %dma_start3A_330] : memref<8264x128xf32, #tpu.memory_space<vmem_shared>> -> memref<8264x128xf32, #tpu.memory_space<vmem_shared>>
            tpu.enqueue_indirect_dma source(%arg10 : memref<128x128xf32, #tpu.memory_space<vmem>>) target(%dma_start3A_331 : memref<8264x128xf32, #tpu.memory_space<vmem_shared>>) offsets(%dma_start3A_328 : memref<128xi32, #tpu.memory_space<vmem>>) semaphore(%run_scoped3A_325 : memref<!tpu.dma_semaphore, #tpu.memory_space<semaphore_mem>>) {add = true}
            %dma_wait3A_332 = arith.constant 0 : i32
            %dma_wait3A_333 = tpu.memref_slice %arg17[%run_scoped3A_323, %dma_wait3A_332] : memref<1x128xi32, #tpu.memory_space<vmem>> -> memref<1x128xi32, #tpu.memory_space<vmem>>
            %dma_wait3A_334 = tpu.memref_squeeze %dma_wait3A_333 : memref<1x128xi32, #tpu.memory_space<vmem>> -> memref<128xi32, #tpu.memory_space<vmem>>
            %dma_wait3A_335 = arith.constant 0 : i32
            %dma_wait3A_336 = arith.constant 0 : i32
            %dma_wait3A_337 = tpu.memref_slice %arg19[%dma_wait3A_335, %dma_wait3A_336] : memref<8264x128xf32, #tpu.memory_space<vmem_shared>> -> memref<8264x128xf32, #tpu.memory_space<vmem_shared>>
            tpu.wait_indirect_dma semaphore(%run_scoped3A_325 : memref<!tpu.dma_semaphore, #tpu.memory_space<semaphore_mem>>) src(%arg10 : memref<128x128xf32, #tpu.memory_space<vmem>>) dst(%dma_wait3A_337 : memref<8264x128xf32, #tpu.memory_space<vmem_shared>>)
            tpu.yield
          }) : () -> ()
          %while3A_324 = arith.constant 0 : i32
          scf.yield %while3A_324 : i32
        }
        %while3A_182 = arith.constant 1 : i32
        %while3A_183 = scf.for %while3A_185 = %while3A_179 to %while3A_175 step %while3A_182 iter_args(%while3A_186 = %while3A_181) -> (i32)  : i32 {
          %mul3A_187 = arith.constant 128 : i32
          %mul3A_188 = arith.muli %while3A_185, %mul3A_187 : i32
          %add3A_189 = arith.constant 0 : i32
          %add3A_190 = arith.addi %mul3A_188, %add3A_189 : i32
          %get3A = arith.index_cast %add3A_190 : i32 to index
          %get3A_191 = tpu.vector_load %arg9[%get3A] {strides = array<i32>} : memref<16512xi32, #tpu.memory_space<vmem>>, vector<16xi32>,
          %and3A_192 = arith.constant 262143 : i32
          %and3A_193 = vector.broadcast %and3A_192 : i32 to vector<16xi32>
          %and3A_194 = arith.andi %get3A_191, %and3A_193 : vector<16xi32>
          %swap3A_195 = arith.constant 0 : index
          %swap3A_196 = tpu.vector_load %arg12[%swap3A_195] {strides = array<i32>} : memref<128xi32, #tpu.memory_space<vmem>>, vector<16xi32>,
          tpu.vector_store %arg12[%swap3A_195], %and3A_194 {strides = array<i32>} : memref<128xi32, #tpu.memory_space<vmem>>, vector<16xi32>,
          %shift_right_logical3A = arith.constant 18 : i32
          %shift_right_logical3A_197 = vector.broadcast %shift_right_logical3A : i32 to vector<16xi32>
          %shift_right_logical3A_198 = arith.shrui %get3A_191, %shift_right_logical3A_197 : vector<16xi32>
          %swap3A_199 = arith.constant 0 : i32
          %swap3A_200 = arith.index_cast %swap3A_199 : i32 to index
          %swap3A_201 = arith.constant 0 : index
          %swap3A_202 = tpu.vector_load %arg17[%swap3A_200, %swap3A_201] {strides = array<i32>} : memref<1x128xi32, #tpu.memory_space<vmem>>, vector<16xi32>,
          tpu.vector_store %arg17[%swap3A_200, %swap3A_201], %shift_right_logical3A_198 {strides = array<i32>} : memref<1x128xi32, #tpu.memory_space<vmem>>, vector<16xi32>,
          %add3A_203 = arith.constant 16 : i32
          %add3A_204 = arith.addi %mul3A_188, %add3A_203 : i32
          %get3A_205 = arith.index_cast %add3A_204 : i32 to index
          %get3A_206 = tpu.vector_load %arg9[%get3A_205] {strides = array<i32>} : memref<16512xi32, #tpu.memory_space<vmem>>, vector<16xi32>,
          %and3A_207 = arith.constant 262143 : i32
          %and3A_208 = vector.broadcast %and3A_207 : i32 to vector<16xi32>
          %and3A_209 = arith.andi %get3A_206, %and3A_208 : vector<16xi32>
          %swap3A_210 = arith.constant 16 : index
          %swap3A_211 = tpu.vector_load %arg12[%swap3A_210] {strides = array<i32>} : memref<128xi32, #tpu.memory_space<vmem>>, vector<16xi32>,
          tpu.vector_store %arg12[%swap3A_210], %and3A_209 {strides = array<i32>} : memref<128xi32, #tpu.memory_space<vmem>>, vector<16xi32>,
          %shift_right_logical3A_212 = arith.constant 18 : i32
          %shift_right_logical3A_213 = vector.broadcast %shift_right_logical3A_212 : i32 to vector<16xi32>
          %shift_right_logical3A_214 = arith.shrui %get3A_206, %shift_right_logical3A_213 : vector<16xi32>
          %swap3A_215 = arith.constant 0 : i32
          %swap3A_216 = arith.index_cast %swap3A_215 : i32 to index
          %swap3A_217 = arith.constant 16 : index
          %swap3A_218 = tpu.vector_load %arg17[%swap3A_216, %swap3A_217] {strides = array<i32>} : memref<1x128xi32, #tpu.memory_space<vmem>>, vector<16xi32>,
          tpu.vector_store %arg17[%swap3A_216, %swap3A_217], %shift_right_logical3A_214 {strides = array<i32>} : memref<1x128xi32, #tpu.memory_space<vmem>>, vector<16xi32>,
          %add3A_219 = arith.constant 32 : i32
          %add3A_220 = arith.addi %mul3A_188, %add3A_219 : i32
          %get3A_221 = arith.index_cast %add3A_220 : i32 to index
          %get3A_222 = tpu.vector_load %arg9[%get3A_221] {strides = array<i32>} : memref<16512xi32, #tpu.memory_space<vmem>>, vector<16xi32>,
          %and3A_223 = arith.constant 262143 : i32
          %and3A_224 = vector.broadcast %and3A_223 : i32 to vector<16xi32>
          %and3A_225 = arith.andi %get3A_222, %and3A_224 : vector<16xi32>
          %swap3A_226 = arith.constant 32 : index
          %swap3A_227 = tpu.vector_load %arg12[%swap3A_226] {strides = array<i32>} : memref<128xi32, #tpu.memory_space<vmem>>, vector<16xi32>,
          tpu.vector_store %arg12[%swap3A_226], %and3A_225 {strides = array<i32>} : memref<128xi32, #tpu.memory_space<vmem>>, vector<16xi32>,
          %shift_right_logical3A_228 = arith.constant 18 : i32
          %shift_right_logical3A_229 = vector.broadcast %shift_right_logical3A_228 : i32 to vector<16xi32>
          %shift_right_logical3A_230 = arith.shrui %get3A_222, %shift_right_logical3A_229 : vector<16xi32>
          %swap3A_231 = arith.constant 0 : i32
          %swap3A_232 = arith.index_cast %swap3A_231 : i32 to index
          %swap3A_233 = arith.constant 32 : index
          %swap3A_234 = tpu.vector_load %arg17[%swap3A_232, %swap3A_233] {strides = array<i32>} : memref<1x128xi32, #tpu.memory_space<vmem>>, vector<16xi32>,
          tpu.vector_store %arg17[%swap3A_232, %swap3A_233], %shift_right_logical3A_230 {strides = array<i32>} : memref<1x128xi32, #tpu.memory_space<vmem>>, vector<16xi32>,
          %add3A_235 = arith.constant 48 : i32
          %add3A_236 = arith.addi %mul3A_188, %add3A_235 : i32
          %get3A_237 = arith.index_cast %add3A_236 : i32 to index
          %get3A_238 = tpu.vector_load %arg9[%get3A_237] {strides = array<i32>} : memref<16512xi32, #tpu.memory_space<vmem>>, vector<16xi32>,
          %and3A_239 = arith.constant 262143 : i32
          %and3A_240 = vector.broadcast %and3A_239 : i32 to vector<16xi32>
          %and3A_241 = arith.andi %get3A_238, %and3A_240 : vector<16xi32>
          %swap3A_242 = arith.constant 48 : index
          %swap3A_243 = tpu.vector_load %arg12[%swap3A_242] {strides = array<i32>} : memref<128xi32, #tpu.memory_space<vmem>>, vector<16xi32>,
          tpu.vector_store %arg12[%swap3A_242], %and3A_241 {strides = array<i32>} : memref<128xi32, #tpu.memory_space<vmem>>, vector<16xi32>,
          %shift_right_logical3A_244 = arith.constant 18 : i32
          %shift_right_logical3A_245 = vector.broadcast %shift_right_logical3A_244 : i32 to vector<16xi32>
          %shift_right_logical3A_246 = arith.shrui %get3A_238, %shift_right_logical3A_245 : vector<16xi32>
          %swap3A_247 = arith.constant 0 : i32
          %swap3A_248 = arith.index_cast %swap3A_247 : i32 to index
          %swap3A_249 = arith.constant 48 : index
          %swap3A_250 = tpu.vector_load %arg17[%swap3A_248, %swap3A_249] {strides = array<i32>} : memref<1x128xi32, #tpu.memory_space<vmem>>, vector<16xi32>,
          tpu.vector_store %arg17[%swap3A_248, %swap3A_249], %shift_right_logical3A_246 {strides = array<i32>} : memref<1x128xi32, #tpu.memory_space<vmem>>, vector<16xi32>,
          %add3A_251 = arith.constant 64 : i32
          %add3A_252 = arith.addi %mul3A_188, %add3A_251 : i32
          %get3A_253 = arith.index_cast %add3A_252 : i32 to index
          %get3A_254 = tpu.vector_load %arg9[%get3A_253] {strides = array<i32>} : memref<16512xi32, #tpu.memory_space<vmem>>, vector<16xi32>,
          %and3A_255 = arith.constant 262143 : i32
          %and3A_256 = vector.broadcast %and3A_255 : i32 to vector<16xi32>
          %and3A_257 = arith.andi %get3A_254, %and3A_256 : vector<16xi32>
          %swap3A_258 = arith.constant 64 : index
          %swap3A_259 = tpu.vector_load %arg12[%swap3A_258] {strides = array<i32>} : memref<128xi32, #tpu.memory_space<vmem>>, vector<16xi32>,
          tpu.vector_store %arg12[%swap3A_258], %and3A_257 {strides = array<i32>} : memref<128xi32, #tpu.memory_space<vmem>>, vector<16xi32>,
          %shift_right_logical3A_260 = arith.constant 18 : i32
          %shift_right_logical3A_261 = vector.broadcast %shift_right_logical3A_260 : i32 to vector<16xi32>
          %shift_right_logical3A_262 = arith.shrui %get3A_254, %shift_right_logical3A_261 : vector<16xi32>
          %swap3A_263 = arith.constant 0 : i32
          %swap3A_264 = arith.index_cast %swap3A_263 : i32 to index
          %swap3A_265 = arith.constant 64 : index
          %swap3A_266 = tpu.vector_load %arg17[%swap3A_264, %swap3A_265] {strides = array<i32>} : memref<1x128xi32, #tpu.memory_space<vmem>>, vector<16xi32>,
          tpu.vector_store %arg17[%swap3A_264, %swap3A_265], %shift_right_logical3A_262 {strides = array<i32>} : memref<1x128xi32, #tpu.memory_space<vmem>>, vector<16xi32>,
          %add3A_267 = arith.constant 80 : i32
          %add3A_268 = arith.addi %mul3A_188, %add3A_267 : i32
          %get3A_269 = arith.index_cast %add3A_268 : i32 to index
          %get3A_270 = tpu.vector_load %arg9[%get3A_269] {strides = array<i32>} : memref<16512xi32, #tpu.memory_space<vmem>>, vector<16xi32>,
          %and3A_271 = arith.constant 262143 : i32
          %and3A_272 = vector.broadcast %and3A_271 : i32 to vector<16xi32>
          %and3A_273 = arith.andi %get3A_270, %and3A_272 : vector<16xi32>
          %swap3A_274 = arith.constant 80 : index
          %swap3A_275 = tpu.vector_load %arg12[%swap3A_274] {strides = array<i32>} : memref<128xi32, #tpu.memory_space<vmem>>, vector<16xi32>,
          tpu.vector_store %arg12[%swap3A_274], %and3A_273 {strides = array<i32>} : memref<128xi32, #tpu.memory_space<vmem>>, vector<16xi32>,
          %shift_right_logical3A_276 = arith.constant 18 : i32
          %shift_right_logical3A_277 = vector.broadcast %shift_right_logical3A_276 : i32 to vector<16xi32>
          %shift_right_logical3A_278 = arith.shrui %get3A_270, %shift_right_logical3A_277 : vector<16xi32>
          %swap3A_279 = arith.constant 0 : i32
          %swap3A_280 = arith.index_cast %swap3A_279 : i32 to index
          %swap3A_281 = arith.constant 80 : index
          %swap3A_282 = tpu.vector_load %arg17[%swap3A_280, %swap3A_281] {strides = array<i32>} : memref<1x128xi32, #tpu.memory_space<vmem>>, vector<16xi32>,
          tpu.vector_store %arg17[%swap3A_280, %swap3A_281], %shift_right_logical3A_278 {strides = array<i32>} : memref<1x128xi32, #tpu.memory_space<vmem>>, vector<16xi32>,
          %add3A_283 = arith.constant 96 : i32
          %add3A_284 = arith.addi %mul3A_188, %add3A_283 : i32
          %get3A_285 = arith.index_cast %add3A_284 : i32 to index
          %get3A_286 = tpu.vector_load %arg9[%get3A_285] {strides = array<i32>} : memref<16512xi32, #tpu.memory_space<vmem>>, vector<16xi32>,
          %and3A_287 = arith.constant 262143 : i32
          %and3A_288 = vector.broadcast %and3A_287 : i32 to vector<16xi32>
          %and3A_289 = arith.andi %get3A_286, %and3A_288 : vector<16xi32>
          %swap3A_290 = arith.constant 96 : index
          %swap3A_291 = tpu.vector_load %arg12[%swap3A_290] {strides = array<i32>} : memref<128xi32, #tpu.memory_space<vmem>>, vector<16xi32>,
          tpu.vector_store %arg12[%swap3A_290], %and3A_289 {strides = array<i32>} : memref<128xi32, #tpu.memory_space<vmem>>, vector<16xi32>,
          %shift_right_logical3A_292 = arith.constant 18 : i32
          %shift_right_logical3A_293 = vector.broadcast %shift_right_logical3A_292 : i32 to vector<16xi32>
          %shift_right_logical3A_294 = arith.shrui %get3A_286, %shift_right_logical3A_293 : vector<16xi32>
          %swap3A_295 = arith.constant 0 : i32
          %swap3A_296 = arith.index_cast %swap3A_295 : i32 to index
          %swap3A_297 = arith.constant 96 : index
          %swap3A_298 = tpu.vector_load %arg17[%swap3A_296, %swap3A_297] {strides = array<i32>} : memref<1x128xi32, #tpu.memory_space<vmem>>, vector<16xi32>,
          tpu.vector_store %arg17[%swap3A_296, %swap3A_297], %shift_right_logical3A_294 {strides = array<i32>} : memref<1x128xi32, #tpu.memory_space<vmem>>, vector<16xi32>,
          %add3A_299 = arith.constant 112 : i32
          %add3A_300 = arith.addi %mul3A_188, %add3A_299 : i32
          %get3A_301 = arith.index_cast %add3A_300 : i32 to index
          %get3A_302 = tpu.vector_load %arg9[%get3A_301] {strides = array<i32>} : memref<16512xi32, #tpu.memory_space<vmem>>, vector<16xi32>,
          %and3A_303 = arith.constant 262143 : i32
          %and3A_304 = vector.broadcast %and3A_303 : i32 to vector<16xi32>
          %and3A_305 = arith.andi %get3A_302, %and3A_304 : vector<16xi32>
          %swap3A_306 = arith.constant 112 : index
          %swap3A_307 = tpu.vector_load %arg12[%swap3A_306] {strides = array<i32>} : memref<128xi32, #tpu.memory_space<vmem>>, vector<16xi32>,
          tpu.vector_store %arg12[%swap3A_306], %and3A_305 {strides = array<i32>} : memref<128xi32, #tpu.memory_space<vmem>>, vector<16xi32>,
          %shift_right_logical3A_308 = arith.constant 18 : i32
          %shift_right_logical3A_309 = vector.broadcast %shift_right_logical3A_308 : i32 to vector<16xi32>
          %shift_right_logical3A_310 = arith.shrui %get3A_302, %shift_right_logical3A_309 : vector<16xi32>
          %swap3A_311 = arith.constant 0 : i32
          %swap3A_312 = arith.index_cast %swap3A_311 : i32 to index
          %swap3A_313 = arith.constant 112 : index
          %swap3A_314 = tpu.vector_load %arg17[%swap3A_312, %swap3A_313] {strides = array<i32>} : memref<1x128xi32, #tpu.memory_space<vmem>>, vector<16xi32>,
          tpu.vector_store %arg17[%swap3A_312, %swap3A_313], %shift_right_logical3A_310 {strides = array<i32>} : memref<1x128xi32, #tpu.memory_space<vmem>>, vector<16xi32>,
          %dma_start3A = arith.constant 0 : i32
          %dma_start3A_315 = tpu.memref_slice %arg2[%dma_start3A] : memref<262144xi32, #tpu.memory_space<hbm>> -> memref<262144xi32, #tpu.memory_space<hbm>>
          tpu.enqueue_indirect_dma source(%dma_start3A_315 : memref<262144xi32, #tpu.memory_space<hbm>>) target(%arg11 : memref<128xi32, #tpu.memory_space<vmem>>) offsets(%arg12 : memref<128xi32, #tpu.memory_space<vmem>>) semaphore(%arg20 : memref<!tpu.dma_semaphore, #tpu.memory_space<semaphore_mem>>)
          %dma_wait3A = arith.constant 0 : i32
          %dma_wait3A_316 = tpu.memref_slice %arg2[%dma_wait3A] : memref<262144xi32, #tpu.memory_space<hbm>> -> memref<262144xi32, #tpu.memory_space<hbm>>
          tpu.wait_indirect_dma semaphore(%arg20 : memref<!tpu.dma_semaphore, #tpu.memory_space<semaphore_mem>>) src(%dma_wait3A_316 : memref<262144xi32, #tpu.memory_space<hbm>>) dst(%arg11 : memref<128xi32, #tpu.memory_space<vmem>>)
          %dma_start3A_317 = arith.constant 0 : i32
          %dma_start3A_318 = arith.constant 0 : i32
          %dma_start3A_319 = tpu.memref_slice %arg5[%dma_start3A_317, %dma_start3A_318] : memref<100000x128xf32, #tpu.memory_space<hbm>> -> memref<100000x128xf32, #tpu.memory_space<hbm>>
          tpu.enqueue_indirect_dma source(%dma_start3A_319 : memref<100000x128xf32, #tpu.memory_space<hbm>>) target(%arg10 : memref<128x128xf32, #tpu.memory_space<vmem>>) offsets(%arg11 : memref<128xi32, #tpu.memory_space<vmem>>) semaphore(%arg21 : memref<!tpu.dma_semaphore, #tpu.memory_space<semaphore_mem>>)
          %dma_wait3A_320 = arith.constant 0 : i32
          %dma_wait3A_321 = arith.constant 0 : i32
          %dma_wait3A_322 = tpu.memref_slice %arg5[%dma_wait3A_320, %dma_wait3A_321] : memref<100000x128xf32, #tpu.memory_space<hbm>> -> memref<100000x128xf32, #tpu.memory_space<hbm>>
          tpu.wait_indirect_dma semaphore(%arg21 : memref<!tpu.dma_semaphore, #tpu.memory_space<semaphore_mem>>) src(%dma_wait3A_322 : memref<100000x128xf32, #tpu.memory_space<hbm>>) dst(%arg10 : memref<128x128xf32, #tpu.memory_space<vmem>>)
          %run_scoped3A_323 = arith.constant 0 : i32
          "tpu.region"() ({
            %run_scoped3A_325 = tpu.sem_alloc : memref<!tpu.dma_semaphore, #tpu.memory_space<semaphore_mem>>
            %dma_start3A_326 = arith.constant 0 : i32
            %dma_start3A_327 = tpu.memref_slice %arg17[%run_scoped3A_323, %dma_start3A_326] : memref<1x128xi32, #tpu.memory_space<vmem>> -> memref<1x128xi32, #tpu.memory_space<vmem>>
            %dma_start3A_328 = tpu.memref_squeeze %dma_start3A_327 : memref<1x128xi32, #tpu.memory_space<vmem>> -> memref<128xi32, #tpu.memory_space<vmem>>
            %dma_start3A_329 = arith.constant 0 : i32
            %dma_start3A_330 = arith.constant 0 : i32
            %dma_start3A_331 = tpu.memref_slice %arg19[%dma_start3A_329, %dma_start3A_330] : memref<8264x128xf32, #tpu.memory_space<vmem_shared>> -> memref<8264x128xf32, #tpu.memory_space<vmem_shared>>
            tpu.enqueue_indirect_dma source(%arg10 : memref<128x128xf32, #tpu.memory_space<vmem>>) target(%dma_start3A_331 : memref<8264x128xf32, #tpu.memory_space<vmem_shared>>) offsets(%dma_start3A_328 : memref<128xi32, #tpu.memory_space<vmem>>) semaphore(%run_scoped3A_325 : memref<!tpu.dma_semaphore, #tpu.memory_space<semaphore_mem>>) {add = true}
            %dma_wait3A_332 = arith.constant 0 : i32
            %dma_wait3A_333 = tpu.memref_slice %arg17[%run_scoped3A_323, %dma_wait3A_332] : memref<1x128xi32, #tpu.memory_space<vmem>> -> memref<1x128xi32, #tpu.memory_space<vmem>>
            %dma_wait3A_334 = tpu.memref_squeeze %dma_wait3A_333 : memref<1x128xi32, #tpu.memory_space<vmem>> -> memref<128xi32, #tpu.memory_space<vmem>>
            %dma_wait3A_335 = arith.constant 0 : i32
            %dma_wait3A_336 = arith.constant 0 : i32
            %dma_wait3A_337 = tpu.memref_slice %arg19[%dma_wait3A_335, %dma_wait3A_336] : memref<8264x128xf32, #tpu.memory_space<vmem_shared>> -> memref<8264x128xf32, #tpu.memory_space<vmem_shared>>
            tpu.wait_indirect_dma semaphore(%run_scoped3A_325 : memref<!tpu.dma_semaphore, #tpu.memory_space<semaphore_mem>>) src(%arg10 : memref<128x128xf32, #tpu.memory_space<vmem>>) dst(%dma_wait3A_337 : memref<8264x128xf32, #tpu.memory_space<vmem_shared>>)
            tpu.yield
          }) : () -> ()
          %while3A_324 = arith.constant 0 : i32
          scf.yield %while3A_324 : i32
        }
        %scan3A_184 = arith.constant 0 : i32
        scf.yield %scan3A_184 : i32
      }
      %scan3A_82 = arith.constant 2 : i32
      %run_scoped3A = arith.constant 0 : i32
      "tpu.region"() ({
        %run_scoped3A_96 = tpu.sem_alloc : memref<!tpu.dma_semaphore, #tpu.memory_space<semaphore_mem>>
        %dma_start3A = arith.constant 0 : i32
        %dma_start3A_97 = tpu.memref_slice %arg18[%run_scoped3A, %dma_start3A] : memref<1x64xi32, #tpu.memory_space<vmem>> -> memref<1x64xi32, #tpu.memory_space<vmem>>
        %dma_start3A_98 = tpu.memref_squeeze %dma_start3A_97 : memref<1x64xi32, #tpu.memory_space<vmem>> -> memref<64xi32, #tpu.memory_space<vmem>>
        %dma_start3A_99 = arith.constant 0 : i32
        %dma_start3A_100 = arith.constant 0 : i32
        %dma_start3A_101 = tpu.memref_slice %arg19[%dma_start3A_99, %dma_start3A_100] : memref<8264x128xf32, #tpu.memory_space<vmem_shared>> -> memref<8264x128xf32, #tpu.memory_space<vmem_shared>>
        tpu.enqueue_indirect_dma source(%arg15 : memref<64x128xf32, #tpu.memory_space<vmem>>) target(%dma_start3A_101 : memref<8264x128xf32, #tpu.memory_space<vmem_shared>>) offsets(%dma_start3A_98 : memref<64xi32, #tpu.memory_space<vmem>>) semaphore(%run_scoped3A_96 : memref<!tpu.dma_semaphore, #tpu.memory_space<semaphore_mem>>) {add = true}
        %dma_wait3A = arith.constant 0 : i32
        %dma_wait3A_102 = tpu.memref_slice %arg18[%run_scoped3A, %dma_wait3A] : memref<1x64xi32, #tpu.memory_space<vmem>> -> memref<1x64xi32, #tpu.memory_space<vmem>>
        %dma_wait3A_103 = tpu.memref_squeeze %dma_wait3A_102 : memref<1x64xi32, #tpu.memory_space<vmem>> -> memref<64xi32, #tpu.memory_space<vmem>>
        %dma_wait3A_104 = arith.constant 0 : i32
        %dma_wait3A_105 = arith.constant 0 : i32
        %dma_wait3A_106 = tpu.memref_slice %arg19[%dma_wait3A_104, %dma_wait3A_105] : memref<8264x128xf32, #tpu.memory_space<vmem_shared>> -> memref<8264x128xf32, #tpu.memory_space<vmem_shared>>
        tpu.wait_indirect_dma semaphore(%run_scoped3A_96 : memref<!tpu.dma_semaphore, #tpu.memory_space<semaphore_mem>>) src(%arg15 : memref<64x128xf32, #tpu.memory_space<vmem>>) dst(%dma_wait3A_106 : memref<8264x128xf32, #tpu.memory_space<vmem_shared>>)
        tpu.yield
      }) : () -> ()
      %barrier3A_83 = arith.constant 0 : index
      tpu.barrier barrier_id(%barrier3A_83)
      %mul3A_84 = arith.constant 512 : i32
      %mul3A_85 = arith.muli %arg1, %mul3A_84 : i32
      %mul3A_86 = arith.constant 512 : i32
      %mul3A_87 = arith.muli %arg1, %mul3A_86 : i32
      %add3A_88 = arith.addi %mul3A_59, %mul3A_87 : i32
      "tpu.region"() ({
        %run_scoped3A_96 = tpu.sem_alloc : memref<!tpu.dma_semaphore, #tpu.memory_space<semaphore_mem>>
        %dma_start3A = arith.constant 0 : i32
        %dma_start3A_97 = tpu.memref_slice %arg6[%add3A_88, %dma_start3A] : memref<65536x128xf32, #tpu.memory_space<hbm>> -> memref<512x128xf32, #tpu.memory_space<hbm>>
        %dma_start3A_98 = arith.constant 0 : i32
        %dma_start3A_99 = tpu.memref_slice %arg19[%mul3A_85, %dma_start3A_98] : memref<8264x128xf32, #tpu.memory_space<vmem_shared>> -> memref<512x128xf32, #tpu.memory_space<vmem_shared>>
        tpu.enqueue_dma source(%dma_start3A_99 : memref<512x128xf32, #tpu.memory_space<vmem_shared>>) target(%dma_start3A_97 : memref<512x128xf32, #tpu.memory_space<hbm>>) target_semaphore(%run_scoped3A_96 : memref<!tpu.dma_semaphore, #tpu.memory_space<semaphore_mem>>)
        %dma_wait3A = arith.constant 0 : i32
        %dma_wait3A_100 = tpu.memref_slice %arg6[%add3A_88, %dma_wait3A] : memref<65536x128xf32, #tpu.memory_space<hbm>> -> memref<512x128xf32, #tpu.memory_space<hbm>>
        %dma_wait3A_101 = arith.constant 0 : i32
        %dma_wait3A_102 = tpu.memref_slice %arg19[%mul3A_85, %dma_wait3A_101] : memref<8264x128xf32, #tpu.memory_space<vmem_shared>> -> memref<512x128xf32, #tpu.memory_space<vmem_shared>>
        tpu.wait_dma2 semaphore(%run_scoped3A_96 : memref<!tpu.dma_semaphore, #tpu.memory_space<semaphore_mem>>) src(%dma_wait3A_102 : memref<512x128xf32, #tpu.memory_space<vmem_shared>>) dst(%dma_wait3A_100 : memref<512x128xf32, #tpu.memory_space<hbm>>)
        tpu.yield
      }) : () -> ()
      %eq3A_89 = arith.constant 0 : i32
      %eq3A_90 = arith.cmpi eq, %arg1, %eq3A_89 : i32
      %convert_element_type3A_91 = arith.extui %eq3A_90 : i1 to i32
      %cond3A_92 = arith.constant 0 : i32
      %cond3A_93 = arith.cmpi ne, %convert_element_type3A_91, %cond3A_92 : i32
      scf.if %cond3A_93 {
        %mul3A_96 = arith.constant 64 : i32
        %mul3A_97 = arith.muli %add3A_57, %mul3A_96 : i32
        "tpu.region"() ({
          %run_scoped3A_98 = tpu.sem_alloc : memref<!tpu.dma_semaphore, #tpu.memory_space<semaphore_mem>>
          %dma_start3A = arith.constant 0 : i32
          %dma_start3A_99 = tpu.memref_slice %arg7[%mul3A_97, %dma_start3A] : memref<512x128xf32, #tpu.memory_space<hbm>> -> memref<64x128xf32, #tpu.memory_space<hbm>>
          %dma_start3A_100 = arith.constant 8200 : i32
          %dma_start3A_101 = arith.constant 0 : i32
          %dma_start3A_102 = tpu.memref_slice %arg19[%dma_start3A_100, %dma_start3A_101] : memref<8264x128xf32, #tpu.memory_space<vmem_shared>> -> memref<64x128xf32, #tpu.memory_space<vmem_shared>>
          tpu.enqueue_dma source(%dma_start3A_102 : memref<64x128xf32, #tpu.memory_space<vmem_shared>>) target(%dma_start3A_99 : memref<64x128xf32, #tpu.memory_space<hbm>>) target_semaphore(%run_scoped3A_98 : memref<!tpu.dma_semaphore, #tpu.memory_space<semaphore_mem>>)
          %dma_wait3A = arith.constant 0 : i32
          %dma_wait3A_103 = tpu.memref_slice %arg7[%mul3A_97, %dma_wait3A] : memref<512x128xf32, #tpu.memory_space<hbm>> -> memref<64x128xf32, #tpu.memory_space<hbm>>
          %dma_wait3A_104 = arith.constant 8200 : i32
          %dma_wait3A_105 = arith.constant 0 : i32
          %dma_wait3A_106 = tpu.memref_slice %arg19[%dma_wait3A_104, %dma_wait3A_105] : memref<8264x128xf32, #tpu.memory_space<vmem_shared>> -> memref<64x128xf32, #tpu.memory_space<vmem_shared>>
          tpu.wait_dma2 semaphore(%run_scoped3A_98 : memref<!tpu.dma_semaphore, #tpu.memory_space<semaphore_mem>>) src(%dma_wait3A_106 : memref<64x128xf32, #tpu.memory_space<vmem_shared>>) dst(%dma_wait3A_103 : memref<64x128xf32, #tpu.memory_space<hbm>>)
          tpu.yield
        }) : () -> ()
      } else {
      }
      %barrier3A_94 = arith.constant 0 : index
      tpu.barrier barrier_id(%barrier3A_94)
      %scan3A_95 = arith.constant 0 : i32
      scf.yield %scan3A_95 : i32
    }
    %scan3A_52 = arith.constant 4 : i32
    return
  }
}

module attributes {stable_mosaic.version = 14 : i64} {
  func.func @_tc2_body(%arg0: i32, %arg1: memref<2048x128xf32, #tpu.memory_space<vmem>>, %arg2: memref<2x2048x128xf32, #tpu.memory_space<vmem>>, %arg3: memref<2x2048x1xf32, #tpu.memory_space<vmem>>, %arg4: memref<128x128xf32, #tpu.memory_space<vmem>>, %arg5: memref<128x128xf32, #tpu.memory_space<vmem>>, %arg6: memref<128x128xf32, #tpu.memory_space<vmem>>, %arg7: memref<1x128xf32, #tpu.memory_space<vmem>>, %arg8: memref<1x128xf32, #tpu.memory_space<vmem>>, %arg9: memref<1x128xf32, #tpu.memory_space<vmem>>, %arg10: memref<2048x128xf32, #tpu.memory_space<vmem>>) attributes {dimension_semantics = [#tpu.dimension_semantics<arbitrary>], iteration_bounds = array<i64: 2>, scalar_prefetch = 0 : i64, scratch_operands = 0 : i64, tpu.core_type = #tpu.core_type<tc>, window_params = [{transform_indices = @transform_0, window_bounds = array<i64: 2048, 128>}, {transform_indices = @transform_1, window_bounds = array<i64: 2, 2048, 128>}, {transform_indices = @transform_2, window_bounds = array<i64: 2, 2048, 1>}, {pipeline_mode = #tpu.pipeline_mode<synchronous>, transform_indices = @transform_3, window_bounds = array<i64: 128, 128>}, {pipeline_mode = #tpu.pipeline_mode<synchronous>, transform_indices = @transform_4, window_bounds = array<i64: 128, 128>}, {pipeline_mode = #tpu.pipeline_mode<synchronous>, transform_indices = @transform_5, window_bounds = array<i64: 128, 128>}, {pipeline_mode = #tpu.pipeline_mode<synchronous>, transform_indices = @transform_6, window_bounds = array<i64: 1, 128>}, {pipeline_mode = #tpu.pipeline_mode<synchronous>, transform_indices = @transform_7, window_bounds = array<i64: 1, 128>}, {pipeline_mode = #tpu.pipeline_mode<synchronous>, transform_indices = @transform_8, window_bounds = array<i64: 1, 128>}, {transform_indices = @transform_9, window_bounds = array<i64: 2048, 128>}]} {
    %get3A = arith.constant 0 : index
    %get3A_0 = arith.constant 0 : index
    %get3A_1 = arith.constant 0 : index
    %get3A_2 = vector.load %arg3[%get3A, %get3A_0, %get3A_1] : memref<2x2048x1xf32, #tpu.memory_space<vmem>>, vector<1x2048x1xf32>
    %get3A_3 = vector.shape_cast %get3A_2 : vector<1x2048x1xf32> to vector<2048x1xf32>
    %get3A_4 = arith.constant 1 : index
    %get3A_5 = arith.constant 0 : index
    %get3A_6 = arith.constant 0 : index
    %get3A_7 = vector.load %arg3[%get3A_4, %get3A_5, %get3A_6] : memref<2x2048x1xf32, #tpu.memory_space<vmem>>, vector<1x2048x1xf32>
    %get3A_8 = vector.shape_cast %get3A_7 : vector<1x2048x1xf32> to vector<2048x1xf32>
    %add3A = arith.addf %get3A_3, %get3A_8 : vector<2048x1xf32>
    %get3A_9 = arith.constant 0 : index
    %get3A_10 = arith.constant 0 : index
    %get3A_11 = arith.constant 0 : index
    %get3A_12 = vector.load %arg2[%get3A_9, %get3A_10, %get3A_11] : memref<2x2048x128xf32, #tpu.memory_space<vmem>>, vector<1x2048x128xf32>
    %get3A_13 = vector.shape_cast %get3A_12 : vector<1x2048x128xf32> to vector<2048x128xf32>
    %get3A_14 = arith.constant 1 : index
    %get3A_15 = arith.constant 0 : index
    %get3A_16 = arith.constant 0 : index
    %get3A_17 = vector.load %arg2[%get3A_14, %get3A_15, %get3A_16] : memref<2x2048x128xf32, #tpu.memory_space<vmem>>, vector<1x2048x128xf32>
    %get3A_18 = vector.shape_cast %get3A_17 : vector<1x2048x128xf32> to vector<2048x128xf32>
    %add3A_19 = arith.addf %get3A_13, %get3A_18 : vector<2048x128xf32>
    %max3A = arith.constant 1.000000e+00 : f32
    %max3A_20 = vector.broadcast %max3A : f32 to vector<2048x1xf32>
    %max3A_21 = arith.maximumf %add3A, %max3A_20 : vector<2048x1xf32>
    %div3A = vector.broadcast %max3A_21 : vector<2048x1xf32> to vector<2048x128xf32>
    %div3A_22 = arith.divf %add3A_19, %div3A : vector<2048x128xf32>
    %get3A_23 = arith.constant 0 : index
    %get3A_24 = arith.constant 0 : index
    %get3A_25 = vector.load %arg1[%get3A_23, %get3A_24] : memref<2048x128xf32, #tpu.memory_space<vmem>>, vector<2048x128xf32>
    %get3A_26 = arith.constant 0 : index
    %get3A_27 = arith.constant 0 : index
    %get3A_28 = vector.load %arg4[%get3A_26, %get3A_27] : memref<128x128xf32, #tpu.memory_space<vmem>>, vector<128x128xf32>
    %dot_general3A = arith.constant dense<0.000000e+00> : vector<2048x128xf32>
    %dot_general3A_29 = tpu.matmul %get3A_25, %get3A_28, %dot_general3A {dimension_numbers = #tpu.dot_dimension_numbers<[1], [1], [0], [0], [0, 0, 1, 0], [], []>, transpose_lhs_hint = false} : vector<2048x128xf32>, vector<128x128xf32>, vector<2048x128xf32> -> vector<2048x128xf32>
    %get3A_30 = arith.constant 0 : index
    %get3A_31 = arith.constant 0 : index
    %get3A_32 = vector.load %arg5[%get3A_30, %get3A_31] : memref<128x128xf32, #tpu.memory_space<vmem>>, vector<128x128xf32>
    %dot_general3A_33 = arith.constant dense<0.000000e+00> : vector<2048x128xf32>
    %dot_general3A_34 = tpu.matmul %div3A_22, %get3A_32, %dot_general3A_33 {dimension_numbers = #tpu.dot_dimension_numbers<[1], [1], [0], [0], [0, 0, 1, 0], [], []>, transpose_lhs_hint = false} : vector<2048x128xf32>, vector<128x128xf32>, vector<2048x128xf32> -> vector<2048x128xf32>
    %add3A_35 = arith.addf %dot_general3A_29, %dot_general3A_34 : vector<2048x128xf32>
    %get3A_36 = arith.constant 0 : index
    %get3A_37 = arith.constant 0 : index
    %get3A_38 = vector.load %arg7[%get3A_36, %get3A_37] : memref<1x128xf32, #tpu.memory_space<vmem>>, vector<1x128xf32>
    %add3A_39 = vector.broadcast %get3A_38 : vector<1x128xf32> to vector<2048x128xf32>
    %add3A_40 = arith.addf %add3A_35, %add3A_39 : vector<2048x128xf32>
    %get3A_41 = arith.constant 0 : index
    %get3A_42 = arith.constant 0 : index
    %get3A_43 = vector.load %arg8[%get3A_41, %get3A_42] : memref<1x128xf32, #tpu.memory_space<vmem>>, vector<1x128xf32>
    %add3A_44 = vector.broadcast %get3A_43 : vector<1x128xf32> to vector<2048x128xf32>
    %add3A_45 = arith.addf %add3A_40, %add3A_44 : vector<2048x128xf32>
    %get3A_46 = arith.constant 0 : index
    %get3A_47 = arith.constant 0 : index
    %get3A_48 = vector.load %arg6[%get3A_46, %get3A_47] : memref<128x128xf32, #tpu.memory_space<vmem>>, vector<128x128xf32>
    %dot_general3A_49 = arith.constant dense<0.000000e+00> : vector<2048x128xf32>
    %dot_general3A_50 = tpu.matmul %add3A_45, %get3A_48, %dot_general3A_49 {dimension_numbers = #tpu.dot_dimension_numbers<[1], [1], [0], [0], [0, 0, 1, 0], [], []>, transpose_lhs_hint = false} : vector<2048x128xf32>, vector<128x128xf32>, vector<2048x128xf32> -> vector<2048x128xf32>
    %get3A_51 = arith.constant 0 : index
    %get3A_52 = arith.constant 0 : index
    %get3A_53 = vector.load %arg9[%get3A_51, %get3A_52] : memref<1x128xf32, #tpu.memory_space<vmem>>, vector<1x128xf32>
    %add3A_54 = vector.broadcast %get3A_53 : vector<1x128xf32> to vector<2048x128xf32>
    %add3A_55 = arith.addf %dot_general3A_50, %add3A_54 : vector<2048x128xf32>
    %swap3A = arith.constant 0 : index
    %swap3A_56 = arith.constant 0 : index
    %swap3A_57 = vector.load %arg10[%swap3A, %swap3A_56] : memref<2048x128xf32, #tpu.memory_space<vmem>>, vector<2048x128xf32>
    tpu.vector_store %arg10[%swap3A, %swap3A_56], %add3A_55 {strides = array<i32>} : memref<2048x128xf32, #tpu.memory_space<vmem>>, vector<2048x128xf32>,
    return
  }
  func.func @transform_0(%arg0: i32) -> (i32, i32) {
    %c0_i32 = arith.constant 0 : i32
    %c0_i32_0 = arith.constant 0 : i32
    return %arg0, %c0_i32 : i32, i32
  }
  func.func @transform_1(%arg0: i32) -> (i32, i32, i32) {
    %c0_i32 = arith.constant 0 : i32
    %c0_i32_0 = arith.constant 0 : i32
    %c0_i32_1 = arith.constant 0 : i32
    return %c0_i32, %arg0, %c0_i32_0 : i32, i32, i32
  }
  func.func @transform_2(%arg0: i32) -> (i32, i32, i32) {
    %c0_i32 = arith.constant 0 : i32
    %c0_i32_0 = arith.constant 0 : i32
    %c0_i32_1 = arith.constant 0 : i32
    return %c0_i32, %arg0, %c0_i32_0 : i32, i32, i32
  }
  func.func @transform_3(%arg0: i32) -> (i32, i32) {
    %c0_i32 = arith.constant 0 : i32
    %c0_i32_0 = arith.constant 0 : i32
    %c0_i32_1 = arith.constant 0 : i32
    return %c0_i32, %c0_i32_0 : i32, i32
  }
  func.func @transform_4(%arg0: i32) -> (i32, i32) {
    %c0_i32 = arith.constant 0 : i32
    %c0_i32_0 = arith.constant 0 : i32
    %c0_i32_1 = arith.constant 0 : i32
    return %c0_i32, %c0_i32_0 : i32, i32
  }
  func.func @transform_5(%arg0: i32) -> (i32, i32) {
    %c0_i32 = arith.constant 0 : i32
    %c0_i32_0 = arith.constant 0 : i32
    %c0_i32_1 = arith.constant 0 : i32
    return %c0_i32, %c0_i32_0 : i32, i32
  }
  func.func @transform_6(%arg0: i32) -> (i32, i32) {
    %c0_i32 = arith.constant 0 : i32
    %c0_i32_0 = arith.constant 0 : i32
    %c0_i32_1 = arith.constant 0 : i32
    return %c0_i32, %c0_i32_0 : i32, i32
  }
  func.func @transform_7(%arg0: i32) -> (i32, i32) {
    %c0_i32 = arith.constant 0 : i32
    %c0_i32_0 = arith.constant 0 : i32
    %c0_i32_1 = arith.constant 0 : i32
    return %c0_i32, %c0_i32_0 : i32, i32
  }
  func.func @transform_8(%arg0: i32) -> (i32, i32) {
    %c0_i32 = arith.constant 0 : i32
    %c0_i32_0 = arith.constant 0 : i32
    %c0_i32_1 = arith.constant 0 : i32
    return %c0_i32, %c0_i32_0 : i32, i32
  }
  func.func @transform_9(%arg0: i32) -> (i32, i32) {
    %c0_i32 = arith.constant 0 : i32
    %c0_i32_0 = arith.constant 0 : i32
    return %arg0, %c0_i32 : i32, i32
  }
}

module attributes {stable_mosaic.version = 14 : i64} {
  func.func @_tc1_body(%arg0: i32, %arg1: memref<2048x128xf32, #tpu.memory_space<vmem>>, %arg2: memref<2048x1xf32, #tpu.memory_space<vmem>>, %arg3: memref<2048x128xf32, #tpu.memory_space<vmem>>, %arg4: memref<128x128xf32, #tpu.memory_space<vmem>>, %arg5: memref<128x128xf32, #tpu.memory_space<vmem>>, %arg6: memref<1x128xf32, #tpu.memory_space<vmem>>, %arg7: memref<1x128xf32, #tpu.memory_space<vmem>>, %arg8: memref<2048x128xf32, #tpu.memory_space<vmem>>) attributes {dimension_semantics = [#tpu.dimension_semantics<arbitrary>], iteration_bounds = array<i64: 32>, scalar_prefetch = 0 : i64, scratch_operands = 0 : i64, tpu.core_type = #tpu.core_type<tc>, window_params = [{transform_indices = @transform_0, window_bounds = array<i64: 2048, 128>}, {transform_indices = @transform_1, window_bounds = array<i64: 2048, 1>}, {transform_indices = @transform_2, window_bounds = array<i64: 2048, 128>}, {pipeline_mode = #tpu.pipeline_mode<synchronous>, transform_indices = @transform_3, window_bounds = array<i64: 128, 128>}, {pipeline_mode = #tpu.pipeline_mode<synchronous>, transform_indices = @transform_4, window_bounds = array<i64: 128, 128>}, {pipeline_mode = #tpu.pipeline_mode<synchronous>, transform_indices = @transform_5, window_bounds = array<i64: 1, 128>}, {pipeline_mode = #tpu.pipeline_mode<synchronous>, transform_indices = @transform_6, window_bounds = array<i64: 1, 128>}, {transform_indices = @transform_7, window_bounds = array<i64: 2048, 128>}]} {
    %get3A = arith.constant 0 : index
    %get3A_0 = arith.constant 0 : index
    %get3A_1 = vector.load %arg1[%get3A, %get3A_0] : memref<2048x128xf32, #tpu.memory_space<vmem>>, vector<2048x128xf32>
    %get3A_2 = arith.constant 0 : index
    %get3A_3 = arith.constant 0 : index
    %get3A_4 = vector.load %arg2[%get3A_2, %get3A_3] : memref<2048x1xf32, #tpu.memory_space<vmem>>, vector<2048x1xf32>
    %max3A = arith.constant 1.000000e+00 : f32
    %max3A_5 = vector.broadcast %max3A : f32 to vector<2048x1xf32>
    %max3A_6 = arith.maximumf %get3A_4, %max3A_5 : vector<2048x1xf32>
    %div3A = vector.broadcast %max3A_6 : vector<2048x1xf32> to vector<2048x128xf32>
    %div3A_7 = arith.divf %get3A_1, %div3A : vector<2048x128xf32>
    %get3A_8 = arith.constant 0 : index
    %get3A_9 = arith.constant 0 : index
    %get3A_10 = vector.load %arg3[%get3A_8, %get3A_9] : memref<2048x128xf32, #tpu.memory_space<vmem>>, vector<2048x128xf32>
    %get3A_11 = arith.constant 0 : index
    %get3A_12 = arith.constant 0 : index
    %get3A_13 = vector.load %arg4[%get3A_11, %get3A_12] : memref<128x128xf32, #tpu.memory_space<vmem>>, vector<128x128xf32>
    %dot_general3A = arith.constant dense<0.000000e+00> : vector<2048x128xf32>
    %dot_general3A_14 = tpu.matmul %get3A_10, %get3A_13, %dot_general3A {dimension_numbers = #tpu.dot_dimension_numbers<[1], [1], [0], [0], [0, 0, 1, 0], [], []>, transpose_lhs_hint = false} : vector<2048x128xf32>, vector<128x128xf32>, vector<2048x128xf32> -> vector<2048x128xf32>
    %get3A_15 = arith.constant 0 : index
    %get3A_16 = arith.constant 0 : index
    %get3A_17 = vector.load %arg5[%get3A_15, %get3A_16] : memref<128x128xf32, #tpu.memory_space<vmem>>, vector<128x128xf32>
    %dot_general3A_18 = arith.constant dense<0.000000e+00> : vector<2048x128xf32>
    %dot_general3A_19 = tpu.matmul %div3A_7, %get3A_17, %dot_general3A_18 {dimension_numbers = #tpu.dot_dimension_numbers<[1], [1], [0], [0], [0, 0, 1, 0], [], []>, transpose_lhs_hint = false} : vector<2048x128xf32>, vector<128x128xf32>, vector<2048x128xf32> -> vector<2048x128xf32>
    %add3A = arith.addf %dot_general3A_14, %dot_general3A_19 : vector<2048x128xf32>
    %get3A_20 = arith.constant 0 : index
    %get3A_21 = arith.constant 0 : index
    %get3A_22 = vector.load %arg6[%get3A_20, %get3A_21] : memref<1x128xf32, #tpu.memory_space<vmem>>, vector<1x128xf32>
    %add3A_23 = vector.broadcast %get3A_22 : vector<1x128xf32> to vector<2048x128xf32>
    %add3A_24 = arith.addf %add3A, %add3A_23 : vector<2048x128xf32>
    %get3A_25 = arith.constant 0 : index
    %get3A_26 = arith.constant 0 : index
    %get3A_27 = vector.load %arg7[%get3A_25, %get3A_26] : memref<1x128xf32, #tpu.memory_space<vmem>>, vector<1x128xf32>
    %add3A_28 = vector.broadcast %get3A_27 : vector<1x128xf32> to vector<2048x128xf32>
    %add3A_29 = arith.addf %add3A_24, %add3A_28 : vector<2048x128xf32>
    %max3A_30 = arith.constant 0.000000e+00 : f32
    %max3A_31 = vector.broadcast %max3A_30 : f32 to vector<2048x128xf32>
    %max3A_32 = arith.maximumf %add3A_29, %max3A_31 : vector<2048x128xf32>
    %swap3A = arith.constant 0 : index
    %swap3A_33 = arith.constant 0 : index
    %swap3A_34 = vector.load %arg8[%swap3A, %swap3A_33] : memref<2048x128xf32, #tpu.memory_space<vmem>>, vector<2048x128xf32>
    tpu.vector_store %arg8[%swap3A, %swap3A_33], %max3A_32 {strides = array<i32>} : memref<2048x128xf32, #tpu.memory_space<vmem>>, vector<2048x128xf32>,
    return
  }
  func.func @transform_0(%arg0: i32) -> (i32, i32) {
    %c0_i32 = arith.constant 0 : i32
    %c0_i32_0 = arith.constant 0 : i32
    return %arg0, %c0_i32 : i32, i32
  }
  func.func @transform_1(%arg0: i32) -> (i32, i32) {
    %c0_i32 = arith.constant 0 : i32
    %c0_i32_0 = arith.constant 0 : i32
    return %arg0, %c0_i32 : i32, i32
  }
  func.func @transform_2(%arg0: i32) -> (i32, i32) {
    %c0_i32 = arith.constant 0 : i32
    %c0_i32_0 = arith.constant 0 : i32
    return %arg0, %c0_i32 : i32, i32
  }
  func.func @transform_3(%arg0: i32) -> (i32, i32) {
    %c0_i32 = arith.constant 0 : i32
    %c0_i32_0 = arith.constant 0 : i32
    %c0_i32_1 = arith.constant 0 : i32
    return %c0_i32, %c0_i32_0 : i32, i32
  }
  func.func @transform_4(%arg0: i32) -> (i32, i32) {
    %c0_i32 = arith.constant 0 : i32
    %c0_i32_0 = arith.constant 0 : i32
    %c0_i32_1 = arith.constant 0 : i32
    return %c0_i32, %c0_i32_0 : i32, i32
  }
  func.func @transform_5(%arg0: i32) -> (i32, i32) {
    %c0_i32 = arith.constant 0 : i32
    %c0_i32_0 = arith.constant 0 : i32
    %c0_i32_1 = arith.constant 0 : i32
    return %c0_i32, %c0_i32_0 : i32, i32
  }
  func.func @transform_6(%arg0: i32) -> (i32, i32) {
    %c0_i32 = arith.constant 0 : i32
    %c0_i32_0 = arith.constant 0 : i32
    %c0_i32_1 = arith.constant 0 : i32
    return %c0_i32, %c0_i32_0 : i32, i32
  }
  func.func @transform_7(%arg0: i32) -> (i32, i32) {
    %c0_i32 = arith.constant 0 : i32
    %c0_i32_0 = arith.constant 0 : i32
    return %arg0, %c0_i32 : i32, i32
  }
}

</mosaic_0001>

<sc_bundles>
// kernel: kernel.6.cloned.1.call-start
scs
__scs_entry_jumppad:
0x0: {  	(pc) =	sbr.rel $0x88, $3  }
0x1: {  	(tag) =	ssettag $0x0;
	lr =	simm.s32 $0x1  }
0x2: {  	[smem:$0x3F91] =	sst lr;
	_ =	strace $0xD0000000  }
0x3: {  	_ = 	snop  }
0x4: {  	_ = 	snop  }
0x5: {  	_ = 	snop  }
0x6: {  	_ = 	snop  }
0x7: {  	_ = 	snop  }
__scs_overlays_trampoline_lowered:
0x8: {  	[smem:$0x3FA0] =	sst s0  }
0x9: {  	[smem:$0x3FA1] =	sst s1  }
0xa: {  	[smem:$0x3FA2] =	sst s2  }
0xb: {  	[smem:$0x3FA3] =	sst s3  }
0xc: {  	[smem:$0x3FA4] =	sst s4  }
0xd: {  	[smem:$0x3FA5] =	sst s5  }
0xe: {  	[smem:$0x3FA6] =	sst s6  }
0xf: {  	[smem:$0x3FA7] =	sst s7  }
0x10: {  	[smem:$0x3FA8] =	sst s8  }
0x11: {  	[smem:$0x3FA9] =	sst s9;
	s0 =	simm.s32 @!p0 $0x0  }
0x12: {  	s1 =	sld [smem:$0x3F8F];
	s0 =	simm.s32 @p0 $0x1  }
0x13: {  	[smem:$0x3FAA] =	sst s0;
	s0 =	simm.s32 @!p1 $0x0  }
0x14: {  	s2 =	sld [smem:$0x3F8E];
	s0 =	simm.s32 @p1 $0x1  }
0x15: {  	[smem:$0x3FAB] =	sst s0;
	s0 =	simm.s32 @!p2 $0x0  }
0x16: {  	s3 =	sld [smem:$0x3FDB];
	s0 =	simm.s32 @p2 $0x1  }
0x17: {  	s4 =	simm.s32 $0x1BF5;
	[smem:$0x3FAD] =	sst s0  }
0x18: {  	s0 =	sld [smem:$0x3F90];
	_ =	swait.ge [sflag:s4], $0x0  }
0x19: {  	s7 =	sld [smem:$0x3F91]  }
0x1a: {  	s8 =	sadd.s32 $0xFFFFE003, lr  }
0x1b: {  	s9 =	sadd.s32 $0xFFFFFEF7, lr;
	s5 =	simm.s32 $0xFFFFFFFF;
	p2 =	slt.u32 s8, $0xFFFFF086  }
0x1c: {  	p1 =	slt.u32 s9, $0xF7A;
	s5 =	simm.s32 @!p2 $0x0  }
0x1d: {  	s5 =	simm.s32 @p1 $0x1;
	p0 =	seq.s32 s7, s2  }
0x1e: {  	s7 =	smul.u32 @!p0 $0xF7A, s2;
	p2 =	seq.s32 @!p0 s5, $0x0  }
0x1f: {  	s9 =	smul.u32 $0xF7A, s1;
	s8 =	simm.s32 @!p0 $0x1BF5;
	p2 =	por !p2, p0  }
0x20: {  	[sflag:s8] =	ssyncset.s32 @!p0 $0xFFFFF086;
	s6 =	sadd.s32 @!p0 s3, s7;
	s7 =	simm.s32 @!p0 $0x108  }
0x21: {  	s3 =	sadd.s32 s3, s9;
	s6 =	sadd.s32 @!p0 $0x88, s6;
	s7 =	simm.s32 @p2 $0x1082  }
0x22: {  	[simem:s7], [sflag:s8] =	dma.local @!p0 [hbm:s6], $0xF7A  }
0x23: {  	s9 =	sor.u32 $0xD0000000, s2;
	s6 =	simm.s32 $0x108;
	_ =	swait.ge @!p0 [sflag:s8], $0x0  }
0x24: {  	s3 =	sadd.s32 $0x88, s3;
	s6 =	simm.s32 @!p1 $0x1082;
	[sflag:s4] =	ssyncset.s32 $0xFFFFF086  }
0x25: {  	[simem:s6], [sflag:s4] =	dma.local [hbm:s3], $0xF7A  }
0x26: {  	[smem:$0x3F91] =	sst s1;
	(tag) =	ssettag s2;
	_ =	strace s9  }
0x27: {  	s1 =	sld [smem:$0x3FA1]  }
0x28: {  	s2 =	sld [smem:$0x3FA2]  }
0x29: {  	s4 =	sld [smem:$0x3FA4]  }
0x2a: {  	p0 =	seq.s32 s5, $0x0;
	s5 =	sld [smem:$0x3FA5]  }
0x2b: {  	s6 =	sld [smem:$0x3FA6]  }
0x2c: {  	s7 =	sld [smem:$0x3FA7]  }
0x2d: {  	s3 =	simm.s32 $0x108;
	s8 =	sld [smem:$0x3FA8]  }
0x2e: {  	s3 =	simm.s32 @!p0 $0x1082;
	s9 =	sld [smem:$0x3FA9]  }
0x2f: {  	lr =	sadd.s32 s0, s3;
	s0 =	sld [smem:$0x3FA0]  }
0x30: {  	s3 =	sld [smem:$0x3FA3]  }
0x31: {  	[smem:$0x3FAC] =	sst s10  }
0x32: {  	s10 =	sld [smem:$0x3FAA];
	_ =	sdelay $0x3  }
0x33: {  	p0 =	seq.s32 s10, $0x1;
	s10 =	sld [smem:$0x3FAC];
	_ =	sdelay $0x3  }
0x34: {  	[smem:$0x3FAC] =	sst s10  }
0x35: {  	s10 =	sld [smem:$0x3FAB];
	_ =	sdelay $0x3  }
0x36: {  	p1 =	seq.s32 s10, $0x1;
	s10 =	sld [smem:$0x3FAC];
	_ =	sdelay $0x3  }
0x37: {  	[smem:$0x3FAC] =	sst s10  }
0x38: {  	s10 =	sld [smem:$0x3FAD]  }
0x39: {  	_ = 	snop;
	(pc) =	sbr.ind lr, $3  }
0x3a: {  	_ = 	snop  }
0x3b: {  	_ = 	snop  }
0x3c: {  	p2 =	seq.s32 s10, $0x1;
	s10 =	sld [smem:$0x3FAC]  }
0x3d: {  	_ =	shalt  }
0x3e: {  	_ =	shalt  }
0x3f: {  	_ =	shalt  }
0x40: {  	_ =	shalt  }
0x41: {  	_ =	shalt  }
0x42: {  	_ =	shalt  }
0x43: {  	_ =	shalt  }
0x44: {  	_ =	shalt  }
0x45: {  	_ =	shalt  }
0x46: {  	_ =	shalt  }
0x47: {  	_ =	shalt  }
0x48: {  	_ =	shalt  }
0x49: {  	_ =	shalt  }
0x4a: {  	_ =	shalt  }
0x4b: {  	_ =	shalt  }
0x4c: {  	_ =	shalt  }
0x4d: {  	_ =	shalt  }
0x4e: {  	_ =	shalt  }
0x4f: {  	_ =	shalt  }
0x50: {  	_ =	shalt  }
0x51: {  	_ =	shalt  }
0x52: {  	_ =	shalt  }
0x53: {  	_ =	shalt  }
0x54: {  	_ =	shalt  }
0x55: {  	_ =	shalt  }
0x56: {  	_ =	shalt  }
0x57: {  	_ =	shalt  }
0x58: {  	_ =	shalt  }
0x59: {  	_ =	shalt  }
0x5a: {  	_ =	shalt  }
0x5b: {  	_ =	shalt  }
0x5c: {  	_ =	shalt  }
0x5d: {  	_ =	shalt  }
0x5e: {  	_ =	shalt  }
0x5f: {  	_ =	shalt  }
0x60: {  	_ =	shalt  }
0x61: {  	_ =	shalt  }
0x62: {  	_ =	shalt  }
0x63: {  	_ =	shalt  }
0x64: {  	_ =	shalt  }
0x65: {  	_ =	shalt  }
0x66: {  	_ =	shalt  }
0x67: {  	_ =	shalt  }
0x68: {  	_ =	shalt  }
0x69: {  	_ =	shalt  }
0x6a: {  	_ =	shalt  }
0x6b: {  	_ =	shalt  }
0x6c: {  	_ =	shalt  }
0x6d: {  	_ =	shalt  }
0x6e: {  	_ =	shalt  }
0x6f: {  	_ =	shalt  }
0x70: {  	_ =	shalt  }
0x71: {  	_ =	shalt  }
0x72: {  	_ =	shalt  }
0x73: {  	_ =	shalt  }
0x74: {  	_ =	shalt  }
0x75: {  	_ =	shalt  }
0x76: {  	_ =	shalt  }
0x77: {  	_ =	shalt  }
0x78: {  	_ =	shalt  }
0x79: {  	_ =	shalt  }
0x7a: {  	_ =	shalt  }
0x7b: {  	_ =	shalt  }
0x7c: {  	_ =	shalt  }
0x7d: {  	_ =	shalt  }
0x7e: {  	_ =	shalt  }
0x7f: {  	_ =	shalt  }
0x80: {  	_ =	shalt  }
0x81: {  	_ =	shalt  }
0x82: {  	_ =	shalt  }
0x83: {  	_ =	shalt  }
0x84: {  	_ =	shalt  }
0x85: {  	_ =	shalt  }
0x86: {  	_ =	shalt  }
0x87: {  	_ =	shalt  }
.Lfunc_end0:
.L_simem_size_0:
called_computation_lowered:
.L_overlay_start_0:
0x88: {  	s2 =	sld [smem:$0x3FD9]  }
0x89: {  	s3 =	sld [smem:$0x3FFE];
	_ =	sdelay $0x1  }
0x8a: {  	s1 =	srdreg.scid  }
0x8b: {  	s0 =	sand.u32 $0x1, s1  }
0x8c: {  	s17 =	sshll.u32 s0, $0xA;
	s2 =	sadd.s32 s3, s2  }
0x8d: {  	s2 =	sadd.s32 s2, s17  }
0x8e: {  	[smem:$0x3FB8] =	sst s2  }
0x8f: {  	_ = 	snop  }
0x90: {  	s2 =	sld [smem:$0x3FC9]  }
0x91: {  	s18 =	sld [smem:$0x3FC8]  }
0x92: {  	s4 =	sld [smem:$0x3FC7]  }
0x93: {  	s5 =	sld [smem:$0x3FC4]  }
0x94: {  	s6 =	sld [smem:$0x3FD0];
	(tm) =	ssettm $0x1  }
0x95: {  	s7 =	sld [smem:$0x3FFB];
	_ =	sdelay $0x3  }
0x96: {  	_ =	strace s7  }
0x97: {  	s7 =	sld [smem:$0x3FFC];
	_ =	sdelay $0x3  }
0x98: {  	_ =	strace s7  }
0x99: {  	s7 =	sld [smem:$0x3FFD];
	_ =	sdelay $0x3  }
0x9a: {  	_ =	strace s7  }
0x9b: {  	_ =	strace $0x8FFFFFFF  }
0x9c: {  	s19 =	sld [smem:$0x3FDB];
	_ =	sdelay $0x1  }
0x9d: {  	s8 =	simm.s32 $_scs_section_size  }
0x9e: {  	s9 =	simm.s32 $_size__tile_overlayer_lowered;
	s10 =	simm.s32 $_tile_overlayer_lowered  }
0x9f: {  	s22 =	simm.s32 $0x1BFF;
	s21 =	sshll.u32 s10, $0x1;
	s7 =	sadd.s32 s8, s19  }
0xa0: {  	s11 =	simm.s32 $0x0;
	s20 =	sshll.u32 s9, $0x1;
	s9 =	sadd.s32 s21, s7  }
0xa1: {  	[timem:s11], [sflag:s22] =	dma.local [hbm:s9], s20  }
0xa2: {  	_ =	swait.ge [sflag:s22], s20  }
0xa3: {  	s8 =	ssub.s32 $0x0, s20;
	[sflag:s22] =	ssyncset.done $0x0  }
0xa4: {  	[sflag:s22] =	ssyncadd.s32 s8;
	_ =	sdelay $0x1  }
0xa5: {  	s23 =	simm.s32 $0x1B8B  }
0xa6: {  	_ =	swait.ge [sflag:s23], $0x1  }
0xa7: {  	[sflag:s23] =	ssyncset.done $0x0  }
0xa8: {  	s25 =	simm.s32 $0x1B8E;
	s24 =	sld [smem:$0x3FFE];
	[sflag:s23] =	ssyncadd.s32 $0xFFFFFFFF  }
0xa9: {  	s26 =	simm.s32 $execute0_lowered;
	[smem:$0x3FD2] =	sst s25  }
0xaa: {  	s9 =	sshll.u32 s26, $0x1;
	_ =	strace $0x80000046;
	[dreg:$0x1] =	wrdreg $0xFFFFFFFF  }
0xab: {  	s28 =	simm.s32 $_size_execute0_lowered;
	s7 =	sadd.s32 s7, s9;
	[dreg:$0x0] =	wrdreg $0x0  }
0xac: {  	s9 =	sshll.u32 s28, $0x1;
	[dreg:$0x2] =	wrdreg s7  }
0xad: {  	[dreg:$0x3] =	wrdreg s9  }
0xae: {  	[dreg:$0x4] =	wrdreg $0xC0  }
0xaf: {  	_ =	task [dreg:s11], $0x5FFFF  }
0xb0: {  	[dreg:$0x1] =	wrdreg $0xFFFFFFFF  }
0xb1: {  	[dreg:$0x0] =	wrdreg $0x60  }
0xb2: {  	[dreg:$0x2] =	wrdreg s2  }
0xb3: {  	[dreg:$0x3] =	wrdreg s18  }
0xb4: {  	[dreg:$0x4] =	wrdreg s4  }
0xb5: {  	[dreg:$0x5] =	wrdreg s5  }
0xb6: {  	[dreg:$0x6] =	wrdreg s24  }
0xb7: {  	[dreg:$0x7] =	wrdreg s6  }
0xb8: {  	[dreg:$0x8] =	wrdreg $0xAE800  }
0xb9: {  	[dreg:$0x9] =	wrdreg $0x9  }
0xba: {  	_ =	task.clear_ibuf [dreg:s11], $0xAFFFF;
	_ =	strace $0x90000046  }
0xbb: {  	s29 =	simm.s32 $0x9;
	_ =	strace $0x80000048  }
0xbc: {  	_ =	swait.ge [sflag:s29], $0x1  }
0xbd: {  	[sflag:s29] =	ssyncadd.s32 $0xFFFFFFFF  }
0xbe: {  	_ =	strace $0x90000048  }
0xbf: {  	_ =	sfence  }
0xc0: {  	s30 =	sld [smem:$0x0];
	_ =	sdelay $0x2  }
0xc1: {  	s31 =	sshll.u32 s1, $0xD;
	s1 =	sshrl.u32 s1, $0x2  }
0xc2: {  	s3 =	sand.u32 $0x4000, s31;
	s1 =	sadd.s32 s1, s30  }
0xc3: {  	s0 =	sor.u32 s3, s0;
	s1 =	sshll.u32 s1, $0x11  }
0xc4: {  	s0 =	sor.u32 s1, s0  }
0xc5: {  	s0 =	sadd.s32 $0x8F2B, s0  }
0xc6: {  	[sflag:s0] =	ssyncadd.remote.s32 $0x1  }
0xc7: {  	_ =	sfence.sel $0xFFFF  }
0xc8: {  	[dreg:$0x0] =	wrdreg $0xFFFFFFFF;
	(pc) =	sbr.abs _section_cstart, $3  }
0xc9: {  	[dreg:$0x1] =	wrdreg $0xFFFFFFFF  }
0xca: {  	_ =	task.clear_ibuf [dreg:s11], $0x2FFFF;
	_ =	strace $0x9FFFFFFF  }
0xcb: {  	(tm) =	ssettm $0x7FFFFFFF  }
tec
execute0_lowered:
.L_overlay_start_1:
0x0: {  	(tag) =	ssettag $0x1  }
0x1: {  	s0 =	rddreg [dreg:$0x0]  }
0x2: {  	s1 =	rddreg [dreg:$0x1]  }
0x3: {  	s3 =	rddreg [dreg:$0x2]  }
0x4: {  	s4 =	rddreg [dreg:$0x3]  }
0x5: {  	s2 =	rddreg [dreg:$0x4]  }
0x6: {  	s6 =	rddreg [dreg:$0x6];
	s7 =	simm.s32 $0x0;
	s5 =	srdreg.scid  }
0x7: {  	s14 =	stileid.u32;
	s28 =	simm.s32 $0x4080;
	s29 =	simm.s32 $0x2  }
0x8: {  	s30 =	simm.s32 $0xA980;
	s31 =	simm.s32 $0x8180;
	[smem:$0x7FF] =	sst s7  }
0x9: {  	s11 =	sand.u32 $0x1, s5;
	s15 =	sshll.u32 s14, $0xD;
	s12 =	sadd.s32 $0x100400, s6  }
0xa: {  	s13 =	sshll.u32 s14, $0xB;
	s18 =	sadd.s32 $0x100C00, s6;
	s19 =	sadd.s32 $0x101000, s6  }
0xb: {  	s17 =	sshll.u32 s14, $0x10;
	s21 =	sadd.s32 $0x101400, s6;
	s22 =	sadd.s32 $0x101800, s6  }
0xc: {  	s23 =	sadd.s32 $0x101C00, s6;
	_ =	strace $0x80000047;
	[dreg:$0x8] =	wrdreg s11  }
0xd: {  	s24 =	sshll.u32 s14, $0xF;
	p0 =	sne.s32 s14, $0x0;
	[dreg:$0xb] =	wrdreg s18  }
0xe: {  	s8 =	ssub.s32 $0x2, s11;
	s5 =	sadd.s32 s15, s2;
	[dreg:$0xc] =	wrdreg s19  }
0xf: {  	s9 =	sshll.u32 s11, $0x13;
	s16 =	sshll.u32 s11, $0xF;
	[dreg:$0xe] =	wrdreg s21  }
0x10: {  	s11 =	sadd.s32 s17, s6;
	s15 =	sadd.s32 $0x100800, s6;
	[dreg:$0xf] =	wrdreg s22  }
0x11: {  	[dreg:$0x10] =	wrdreg s23;
	s21 =	sadd.s32 $0x102000, s6;
	s17 =	simm.s32 $0x8980  }
0x12: {  	s22 =	simm.s32 $0x1;
	s10 =	sshrl.u32 s8, $0x1;
	s2 =	sadd.s32 s9, s2  }
0x13: {  	[dreg:$0x9] =	wrdreg s15;
	s5 =	sadd.s32 $0x2600, s5;
	s25 =	sor.u32 s13, s16  }
0x14: {  	s13 =	simm.s32 $0x0;
	s8 =	ssub.s32 s8, s10;
	s10 =	sshll.u32 s14, $0xC  }
.Ltmp0:
0x15: {  	[dreg:$0xa] =	wrdreg s5;
	s2 =	sadd.s32 s24, s2;
	(pc) =	sbr.rel .LBB2_1-.Ltmp0, $4  }
0x16: {  	s26 =	sshrl.u32 s25, $0x3;
	s24 =	simm.s32 $0x8080;
	s25 =	simm.s32 $0x3  }
0x17: {  	v0 =	vlaneseq.u32;
	v1 =	vimm.f32 $0.0e+00;
	v6 =	vimm.f32 $1.000000000e+00;
	s5 =	simm.s32 $0x8100;
	s20 =	smax.u32 s8, $0x1;
	s2 =	sadd.s32 $0x102600, s2  }
0x18: {  	v7 =	vimm.s32 $0x0;
	v8 =	vimm.s32 $0x80000000;
	v2 =	vadd.s32 $0x2008, v0;
	s23 =	sadd.s32 s26, s0;
	s26 =	simm.s32 $0x80;
	[dreg:$0xd] =	wrdreg s20  }
0x19: {  	v3 =	vadd.s32 $0x2018, v0;
	v4 =	vadd.s32 $0x2028, v0;
	v5 =	vadd.s32 $0x2038, v0;
	s8 =	simm.s32 $0xAD80;
	[dreg:$0x11] =	wrdreg s2;
	s2 =	simm.s32 $0x8580  }
.LBB2_21:
0x1a: {  	s13 =	rddreg [dreg:$0x12]  }
0x1b: {  	s9 =	rddreg [dreg:$0xd];
	s13 =	sadd.s32 $0x1, s13  }
0x1c: {  	p1 =	sne.s32 s13, s9  }
.Ltmp1:
0x1d: {  	_ = 	snop;
	(pc) =	sbr.rel @!p1 .LBB2_22-.Ltmp1, $1  }
0x1e: {  	_ =	sdelay $0x3  }
.LBB2_1:
0x1f: {  	s9 =	sand.u32 $0xE00, s7  }
0x20: {  	[dreg:$0x12] =	wrdreg s13;
	s20 =	sand.u32 $0x70, s7;
	s14 =	sshrl.u32 s9, $0x2  }
0x21: {  	s13 =	simm.s32 $0x0;
	s9 =	simm.s32 $0x40;
	s14 =	sor.u32 s20, s14  }
.LBB2_2:
0x22: {  	p1 =	sne.s32 s9, $0xFC0  }
0x23: {  	[tilespmem:s14+$0xA980] =	vst v1;
	s13 =	sadd.s32 $0x10, s13;
	s14 =	smov.u32 s9;
	s9 =	sadd.s32 $0x40, s9  }
.Ltmp2:
0x24: {  	(pc) =	sbr.rel @p1 .LBB2_2-.Ltmp2, $4  }
0x25: {  	_ = 	snop  }
0x26: {  	s14 =	sand.u32 $0xE00, s14  }
0x27: {  	s15 =	sand.u32 $0x70, s13;
	s14 =	sshrl.u32 s14, $0x2  }
0x28: {  	s14 =	sor.u32 s15, s14  }
0x29: {  	[tilespmem:s14+$0xA980] =	vst v1  }
0x2a: {  	[tilespmem:$0xAE00] =	vst v2  }
0x2b: {  	[tilespmem:$0xAE10] =	vst v3  }
0x2c: {  	[tilespmem:$0xAE20] =	vst v4  }
0x2d: {  	s9 =	simm.s32 $0x0;
	s13 =	sadd.s32 $0x0, s23;
	[tilespmem:$0xAE30] =	vst v5  }
0x2e: {  	[tilespmem:s24], [sflag:$0x3] =	stream.linear.gather [hbm4b:s13+s9], $0x80, $0x38;
	[tilespmem:$0x1B0C0] =	vst v63  }
0x2f: {  	_ =	swait.ge [sflag:s25], $0x80  }
0x30: {  	[sflag:s25] =	ssyncset.done $0x0  }
0x31: {  	[sflag:s25] =	ssyncadd.s32 $0xFFFFFF80  }
0x32: {  	[tilespmem:s28], [sflag:$0x2] =	stream.indirect.gather [hbm4b:s4+s26], $0x80, s24, s26, $0xb8;
	[tilespmem:$0x1B0C0] =	vst v63  }
0x33: {  	_ =	swait.ge [sflag:s29], $0x4000  }
0x34: {  	[sflag:s29] =	ssyncset.done $0x0  }
0x35: {  	s20 =	rddreg [dreg:$0x11];
	[sflag:s29] =	ssyncadd.s32 $0xFFFFC000  }
0x36: {  	[hbm4b:s20+s9] =	stream.linear.scatter [tilespmem:s28], [sflag:$0x3], $0x4000, $0x38;
	[tilespmem:$0x1B0C0] =	vst v63  }
0x37: {  	s14 =	simm.s32 $0x10;
	_ =	swait.ge [sflag:s25], $0x4000  }
0x38: {  	s15 =	simm.s32 $0x20;
	s13 =	sadd.s32 $0x800, s20;
	[sflag:s25] =	ssyncset.done $0x0  }
.LBB2_4:
0x39: {  	s16 =	sadd.s32 s14, s23  }
0x3a: {  	[sflag:s25] =	ssyncadd.s32 $0xFFFFC000;
	s14 =	smov.u32 s15;
	s18 =	sadd.s32 $0x10, s15  }
0x3b: {  	[tilespmem:s24], [sflag:$0x3] =	stream.linear.gather [hbm4b:s16+s9], $0x80, $0x38;
	[tilespmem:$0x1B0C0] =	vst v63  }
0x3c: {  	p1 =	sne.s32 s15, $0xF0;
	_ =	swait.ge [sflag:s25], $0x80  }
0x3d: {  	[sflag:s25] =	ssyncset.done $0x0  }
0x3e: {  	[sflag:s25] =	ssyncadd.s32 $0xFFFFFF80  }
0x3f: {  	[tilespmem:s28], [sflag:$0x2] =	stream.indirect.gather [hbm4b:s4+s26], $0x80, s24, s26, $0xb8;
	[tilespmem:$0x1B0C0] =	vst v63  }
0x40: {  	_ =	swait.ge [sflag:s29], $0x4000  }
.Ltmp3:
0x41: {  	[sflag:s29] =	ssyncset.done $0x0;
	(pc) =	sbr.rel @p1 .LBB2_4-.Ltmp3, $4  }
0x42: {  	[sflag:s29] =	ssyncadd.s32 $0xFFFFC000  }
0x43: {  	[hbm4b:s13+s9] =	stream.linear.scatter [tilespmem:s28], [sflag:$0x3], $0x4000, $0x38;
	[tilespmem:$0x1B0C0] =	vst v63  }
0x44: {  	_ =	swait.ge [sflag:s25], $0x4000  }
0x45: {  	s15 =	smov.u32 s18;
	s13 =	sadd.s32 $0x800, s13;
	[sflag:s25] =	ssyncset.done $0x0  }
0x46: {  	s14 =	sadd.s32 s14, s23;
	[sflag:s25] =	ssyncadd.s32 $0xFFFFC000  }
0x47: {  	[tilespmem:s24], [sflag:$0x3] =	stream.linear.gather [hbm4b:s14+s9], $0x80, $0x38;
	[tilespmem:$0x1B0C0] =	vst v63  }
0x48: {  	_ =	swait.ge [sflag:s25], $0x80  }
0x49: {  	[sflag:s25] =	ssyncset.done $0x0  }
0x4a: {  	[sflag:s25] =	ssyncadd.s32 $0xFFFFFF80  }
0x4b: {  	[tilespmem:s28], [sflag:$0x2] =	stream.indirect.gather [hbm4b:s4+s26], $0x80, s24, s26, $0xb8;
	[tilespmem:$0x1B0C0] =	vst v63  }
0x4c: {  	_ =	swait.ge [sflag:s29], $0x4000  }
0x4d: {  	[sflag:s29] =	ssyncset.done $0x0  }
.Ltmp4:
0x4e: {  	[sflag:s29] =	ssyncadd.s32 $0xFFFFC000;
	(pc) =	sbr.rel .LBB2_6-.Ltmp4, $4  }
0x4f: {  	[hbm4b:s13+s9] =	stream.linear.scatter [tilespmem:s28], [sflag:$0x3], $0x4000, $0x38;
	[tilespmem:$0x1B0C0] =	vst v63  }
0x50: {  	_ =	swait.ge [sflag:s25], $0x4000  }
0x51: {  	[sflag:s25] =	ssyncset.done $0x0  }
0x52: {  	[sflag:s25] =	ssyncadd.s32 $0xFFFFC000  }
.LBB2_20:
0x53: {  	s14 =	simm.s32 $0x40;
	s15 =	simm.s32 $0xAE00  }
0x54: {  	[spmem:s6] =	stream.indirect.scatter.add.f32 [tilespmem:s17], [sflag:$0x3], $0x80, s15, s14, $0xb8;
	[tilespmem:$0x1B0C0] =	vst v63  }
0x55: {  	_ =	swait.ge [sflag:s25], $0x2000  }
0x56: {  	[sflag:s25] =	ssyncset.done $0x0  }
0x57: {  	[sflag:s25] =	ssyncadd.s32 $0xFFFFE000  }
0x58: {  	s19 =	stileid.u32;
	[bflag:$0x0] =	sbarrier.arrive $0xFFFF  }
0x59: {  	s18 =	sshll.u32 s13, $0x11;
	s15 =	sshll.u32 s19, $0x6;
	s16 =	rddreg [dreg:$0xa]  }
0x5a: {  	s20 =	sshrl.u32 s11, $0x3;
	s15 =	sor.u32 $0x1C03, s15;
	s14 =	sadd.s32 s18, s16  }
0x5b: {  	[hbm:s14], [sflag:s15] =	dma.local [spmem:s20], $0x2000  }
0x5c: {  	_ =	swait.ge [sflag:s25], $0x2000  }
0x5d: {  	[sflag:s25] =	ssyncset.done $0x0  }
0x5e: {  	[sflag:s25] =	ssyncadd.s32 $0xFFFFE000  }
0x5f: {  	s13 =	sshll.u32 @!p0 s13, $0xA;
	s14 =	rddreg [dreg:$0x5]  }
0x60: {  	s9 =	sadd.s32 $0x1, s9;
	s13 =	sadd.s32 @!p0 s14, s13;
	s14 =	sshrl.u32 @!p0 s12, $0x3  }
0x61: {  	[hbm:s13], [sflag:s15] =	dma.local @!p0 [spmem:s14], $0x400  }
0x62: {  	p1 =	sne.s32 s9, $0x4;
	s13 =	simm.s32 @!p0 $0x3  }
.Ltmp5:
0x63: {  	_ =	swait.ge @!p0 [sflag:s13], $0x400;
	(pc) =	sbr.rel @!p1 .LBB2_21-.Ltmp5, $3  }
0x64: {  	[sflag:s13] =	ssyncset.done @!p0 $0x0  }
0x65: {  	[sflag:s13] =	ssyncadd.s32 @!p0 $0xFFFFFC00  }
0x66: {  	[bflag:$0x0] =	sbarrier.arrive $0xFFFF;
	_ =	sdelay $0x1  }
.LBB2_6:
0x67: {  	s13 =	sadd.s32 $0x0, s11  }
0x68: {  	[spmem:s13] =	stream.linear.scatter [tilespmem:s30], [sflag:$0x3], $0x400, $0x38;
	[tilespmem:$0x1B0C0] =	vst v63  }
0x69: {  	s13 =	simm.s32 $0x1000;
	_ =	swait.ge [sflag:s25], $0x400  }
.LBB2_7:
0x6a: {  	s14 =	sshra.s32 s13, $0x2;
	[sflag:s25] =	ssyncset.done $0x0;
	p1 =	sne.s32 s13, $0x3F000  }
.Ltmp6:
0x6b: {  	s14 =	sadd.s32 s14, s11;
	[sflag:s25] =	ssyncadd.s32 $0xFFFFFC00;
	(pc) =	sbr.rel @p1 .LBB2_7-.Ltmp6, $3  }
0x6c: {  	[spmem:s14] =	stream.linear.scatter [tilespmem:s30], [sflag:$0x3], $0x400, $0x38;
	[tilespmem:$0x1B0C0] =	vst v63  }
0x6d: {  	s13 =	sadd.s32 $0x1000, s13;
	_ =	sdelay $0x1  }
0x6e: {  	_ =	swait.ge [sflag:s25], $0x400  }
0x6f: {  	[sflag:s25] =	ssyncset.done $0x0  }
0x70: {  	s13 =	simm.s32 @!p0 $0xA980;
	s15 =	simm.s32 @!p0 $0x3;
	[sflag:s25] =	ssyncadd.s32 $0xFFFFFC00  }
0x71: {  	[spmem:s12] =	stream.linear.scatter @!p0 [tilespmem:s13], [sflag:$0x3], $0x400, $0x38;
	[tilespmem:$0x1B0C0] =	vst v63  }
0x72: {  	_ =	swait.ge @!p0 [sflag:s15], $0x400  }
0x73: {  	[sflag:s15] =	ssyncset.done @!p0 $0x0  }
0x74: {  	s14 =	rddreg [dreg:$0x9];
	[sflag:s15] =	ssyncadd.s32 @!p0 $0xFFFFFC00  }
0x75: {  	[spmem:s14] =	stream.linear.scatter @!p0 [tilespmem:s13], [sflag:$0x3], $0x400, $0x38;
	[tilespmem:$0x1B0C0] =	vst v63  }
0x76: {  	_ =	swait.ge @!p0 [sflag:s15], $0x400  }
0x77: {  	[sflag:s15] =	ssyncset.done @!p0 $0x0  }
0x78: {  	s14 =	rddreg [dreg:$0xb];
	[sflag:s15] =	ssyncadd.s32 @!p0 $0xFFFFFC00  }
0x79: {  	[spmem:s14] =	stream.linear.scatter @!p0 [tilespmem:s13], [sflag:$0x3], $0x400, $0x38;
	[tilespmem:$0x1B0C0] =	vst v63  }
0x7a: {  	_ =	swait.ge @!p0 [sflag:s15], $0x400  }
0x7b: {  	[sflag:s15] =	ssyncset.done @!p0 $0x0  }
0x7c: {  	s14 =	rddreg [dreg:$0xc];
	[sflag:s15] =	ssyncadd.s32 @!p0 $0xFFFFFC00  }
0x7d: {  	[spmem:s14] =	stream.linear.scatter @!p0 [tilespmem:s13], [sflag:$0x3], $0x400, $0x38;
	[tilespmem:$0x1B0C0] =	vst v63  }
0x7e: {  	_ =	swait.ge @!p0 [sflag:s15], $0x400  }
0x7f: {  	[sflag:s15] =	ssyncset.done @!p0 $0x0  }
0x80: {  	s14 =	rddreg [dreg:$0xe];
	[sflag:s15] =	ssyncadd.s32 @!p0 $0xFFFFFC00  }
0x81: {  	[spmem:s14] =	stream.linear.scatter @!p0 [tilespmem:s13], [sflag:$0x3], $0x400, $0x38;
	[tilespmem:$0x1B0C0] =	vst v63  }
0x82: {  	_ =	swait.ge @!p0 [sflag:s15], $0x400  }
0x83: {  	[sflag:s15] =	ssyncset.done @!p0 $0x0  }
0x84: {  	s14 =	rddreg [dreg:$0xf];
	[sflag:s15] =	ssyncadd.s32 @!p0 $0xFFFFFC00  }
0x85: {  	[spmem:s14] =	stream.linear.scatter @!p0 [tilespmem:s13], [sflag:$0x3], $0x400, $0x38;
	[tilespmem:$0x1B0C0] =	vst v63  }
0x86: {  	_ =	swait.ge @!p0 [sflag:s15], $0x400  }
0x87: {  	[sflag:s15] =	ssyncset.done @!p0 $0x0  }
0x88: {  	s14 =	rddreg [dreg:$0x10];
	[sflag:s15] =	ssyncadd.s32 @!p0 $0xFFFFFC00  }
0x89: {  	[spmem:s14] =	stream.linear.scatter @!p0 [tilespmem:s13], [sflag:$0x3], $0x400, $0x38;
	[tilespmem:$0x1B0C0] =	vst v63  }
0x8a: {  	_ =	swait.ge @!p0 [sflag:s15], $0x400  }
0x8b: {  	s14 =	simm.s32 $0x0;
	[sflag:s15] =	ssyncset.done @!p0 $0x0  }
0x8c: {  	s19 =	sshll.u32 s9, $0x1;
	s20 =	sand.u32 $0x7E00, s14;
	[sflag:s15] =	ssyncadd.s32 @!p0 $0xFFFFFC00  }
0x8d: {  	[spmem:s21] =	stream.linear.scatter @!p0 [tilespmem:s13], [sflag:$0x3], $0x400, $0x38;
	[tilespmem:$0x1B0C0] =	vst v63  }
0x8e: {  	s18 =	sand.u32 $0x70, s14;
	s16 =	rddreg [dreg:$0x8];
	_ =	swait.ge @!p0 [sflag:s15], $0x400  }
0x8f: {  	s13 =	sor.u32 s16, s19;
	s16 =	sshrl.u32 s20, $0x2;
	[sflag:s15] =	ssyncset.done @!p0 $0x0  }
0x90: {  	s16 =	sor.u32 s18, s16;
	[sflag:s15] =	ssyncadd.s32 @!p0 $0xFFFFFC00;
	s15 =	simm.s32 $0x40  }
.LBB2_9:
0x91: {  	p1 =	sne.s32 s15, $0x7FC0  }
0x92: {  	[tilespmem:s16+$0x8980] =	vst v1;
	s14 =	sadd.s32 $0x10, s14;
	s16 =	smov.u32 s15;
	s15 =	sadd.s32 $0x40, s15  }
.Ltmp7:
0x93: {  	(pc) =	sbr.rel @p1 .LBB2_9-.Ltmp7, $4  }
0x94: {  	_ = 	snop  }
0x95: {  	s16 =	sand.u32 $0x7E00, s16  }
0x96: {  	s18 =	sand.u32 $0x70, s14;
	s16 =	sshrl.u32 s16, $0x2  }
0x97: {  	s16 =	sor.u32 s18, s16  }
.Ltmp8:
0x98: {  	(pc) =	sbr.rel .LBB2_11-.Ltmp8, $4  }
0x99: {  	_ = 	snop  }
0x9a: {  	[tilespmem:s16+$0x8980] =	vst v1  }
0x9b: {  	[bflag:$0x0] =	sbarrier.arrive $0xFFFF  }
0x9c: {  	v9 =	vmov s13;
	s14 =	simm.s32 $0x0;
	p2 =	por $0x1, $0x1  }
.LBB2_18:
0x9d: {  	[sflag:s22] =	ssyncadd.s32 $0xFFFFFF80  }
0x9e: {  	[tilespmem:s28], [sflag:$0x2] =	stream.indirect.gather [hbm4b:s4+s26], $0x80, s24, s26, $0xb8;
	[tilespmem:$0x1B0C0] =	vst v63  }
0x9f: {  	_ =	swait.ge [sflag:s29], $0x4000  }
0xa0: {  	[sflag:s29] =	ssyncset.done $0x0  }
0xa1: {  	[sflag:s29] =	ssyncadd.s32 $0xFFFFC000  }
0xa2: {  	[spmem:s6] =	stream.indirect.scatter.add.f32 [tilespmem:s28], [sflag:$0x3], $0x80, s8, s26, $0xb8;
	[tilespmem:$0x1B0C0] =	vst v63  }
0xa3: {  	_ =	swait.ge [sflag:s25], $0x4000  }
0xa4: {  	[sflag:s25] =	ssyncset.done $0x0  }
0xa5: {  	[sflag:s25] =	ssyncadd.s32 $0xFFFFC000  }
.LBB2_19:
.Ltmp9:
0xa6: {  	(pc) =	sbr.rel @!p1 .LBB2_20-.Ltmp9, $2  }
0xa7: {  	_ =	sdelay $0x2  }
0xa8: {  	s14 =	simm.s32 $0x800;
	p2 =	por $0x0, $0x0  }
.LBB2_11:
0xa9: {  	p1 =	por p2, p2  }
0xaa: {  	s14 =	sor.u32 s10, s14;
	s16 =	simm.s32 $0x0;
	s15 =	simm.s32 $0x0  }
.LBB2_12:
0xab: {  	s18 =	sshll.u32 s15, $0x7  }
0xac: {  	s18 =	sadd.s32 s14, s18  }
0xad: {  	s20 =	simm.s32 $0x0;
	s19 =	sadd.s32 s1, s18  }
0xae: {  	[tilespmem:s31], [sflag:$0x3] =	stream.linear.gather [hbm4b:s19+s20], $0x400, $0x38;
	[tilespmem:$0x1B0C0] =	vst v63  }
0xaf: {  	_ =	swait.ge [sflag:s25], $0x400  }
0xb0: {  	[sflag:s25] =	ssyncset.done $0x0  }
0xb1: {  	s18 =	sadd.s32 s3, s18;
	[sflag:s25] =	ssyncadd.s32 $0xFFFFFC00  }
0xb2: {  	[tilespmem:s2], [sflag:$0x3] =	stream.linear.gather [hbm4b:s18+s20], $0x400, $0x38;
	[tilespmem:$0x1B0C0] =	vst v63  }
0xb3: {  	_ =	swait.ge [sflag:s25], $0x400  }
0xb4: {  	[sflag:s25] =	ssyncset.done $0x0  }
0xb5: {  	s20 =	simm.s32 $0x0;
	[sflag:s25] =	ssyncadd.s32 $0xFFFFFC00  }
0xb6: {  	v10 =	vld [tilespmem:s20+$0x8580];
	_ =	sdelay $0x4  }
0xb7: {  	v11 =	vshrl.u32 v10, $0xD  }
0xb8: {  	vm0 =	veq.s32 v11, v9  }
0xb9: {  	v11 =	vsel vm0, $0x1, v7  }
0xba: {  	(xrf0) =	vadd.scan.msk.s32 $0xffff, v11;
	_ =	sdelay $0x2  }
0xbb: {  	v11 =	vmov s16  }
0xbc: {  	v11 =	vadd.s32 $0xFFFFFFFF, v11  }
0xbd: {  	v11 =	vbroadcast v11, $0x0  }
0xbe: {  	v12, _, _ =	vpop (xrf0)  }
0xbf: {  	v11 =	vadd.s32 v12, v11;
	(v2sf) =	vpush v12, $0xF  }
0xc0: {  	v14 =	vld [tilespmem:s20+$0x8180];
	v13 =	vand.u32 $0x1FFF, v10;
	vm1 =	vgt.s32 v11, $0x0  }
0xc1: {  	v11 =	vnsel vm1, $0x0, v11;
	_ =	sdelay $0x1  }
0xc2: {  	v10 =	vshll.u32 v10, $0x12  }
0xc3: {  	v10 =	vand.u32 $0x7FFC0000, v10  }
0xc4: {  	v10 =	vor.u32 v14, v10;
	[tilespmem:v13+s17+$0x0] =	vst.idx.add.f32.msk vm0, v6  }
0xc5: {  	s19 =	simm.s32 $0x10;
	s18 =	simm.s32 $0x80;
	[tilespmem:v11+s7+$0x0] =	vst.idx.msk vm0, v10  }
.LBB2_13:
0xc6: {  	p2 =	sne.s32 s18, $0xFC0;
	v10 =	vld [tilespmem:s19+$0x8580];
	_ =	sdelay $0x4  }
0xc7: {  	v11 =	vshrl.u32 v10, $0xD;
	v12 =	vand.u32 $0x1FFF, v10;
	v10 =	vshll.u32 v10, $0x12  }
0xc8: {  	vm0 =	veq.s32 v11, v9  }
0xc9: {  	v11 =	vsel vm0, $0x1, v7;
	s20 =	spop (v2sf)  }
0xca: {  	(xrf0) =	vadd.scan.msk.s32 $0xffff, v11;
	s16 =	sadd.s32 s16, s20  }
0xcb: {  	v11 =	vmov s16  }
0xcc: {  	v11 =	vadd.s32 $0xFFFFFFFF, v11  }
0xcd: {  	v13 =	vld [tilespmem:s19+$0x8180];
	v11 =	vbroadcast v11, $0x0  }
0xce: {  	[tilespmem:v12+s17+$0x0] =	vst.idx.add.f32.msk vm0, v6;
	_ =	sdelay $0x1  }
0xcf: {  	v12, _, _ =	vpop (xrf0)  }
0xd0: {  	v11 =	vadd.s32 v12, v11;
	(v2sf) =	vpush v12, $0xF  }
0xd1: {  	vm1 =	vgt.s32 v11, $0x0  }
0xd2: {  	v11 =	vnsel vm1, $0x0, v11  }
.Ltmp10:
0xd3: {  	(pc) =	sbr.rel @p2 .LBB2_13-.Ltmp10, $4  }
0xd4: {  	_ = 	snop  }
0xd5: {  	v10 =	vand.u32 $0x7FFC0000, v10  }
0xd6: {  	v10 =	vor.u32 v13, v10  }
0xd7: {  	s19 =	sshra.s32 s18, $0x2;
	s18 =	sadd.s32 $0x40, s18;
	[tilespmem:v11+s7+$0x0] =	vst.idx.msk vm0, v10  }
0xd8: {  	v10 =	vld [tilespmem:s19+$0x8580];
	_ =	sdelay $0x4  }
0xd9: {  	v11 =	vshrl.u32 v10, $0xD  }
0xda: {  	vm0 =	veq.s32 v11, v9  }
0xdb: {  	v11 =	vsel vm0, $0x1, v7  }
0xdc: {  	(xrf0) =	vadd.scan.msk.s32 $0xffff, v11;
	_ =	sdelay $0x5  }
0xdd: {  	v11, _, _ =	vpop (xrf0)  }
0xde: {  	(v2sf) =	vpush v11, $0xF;
	_ =	sdelay $0x2  }
0xdf: {  	s18 =	spop (v2sf)  }
0xe0: {  	s16 =	sadd.s32 s16, s18  }
0xe1: {  	v12 =	vmov s16  }
0xe2: {  	v12 =	vadd.s32 $0xFFFFFFFF, v12  }
0xe3: {  	v12 =	vbroadcast v12, $0x0;
	_ =	sdelay $0x1  }
0xe4: {  	v11 =	vadd.s32 v11, v12  }
0xe5: {  	v13 =	vld [tilespmem:s19+$0x8180];
	s15 =	sadd.s32 $0x1, s15;
	v63 =	vand.u32 $0x1FFF, v10;
	vm1 =	vgt.s32 v11, $0x0  }
0xe6: {  	p2 =	sne.s32 s15, $0x10;
	v11 =	vnsel vm1, $0x0, v11  }
.Ltmp11:
0xe7: {  	_ = 	snop;
	(pc) =	sbr.rel @p2 .LBB2_12-.Ltmp11, $4  }
0xe8: {  	v10 =	vshll.u32 v10, $0x12  }
0xe9: {  	v10 =	vand.u32 $0x7FFC0000, v10  }
0xea: {  	v10 =	vor.u32 v13, v10;
	[tilespmem:v63+s17+$0x0] =	vst.idx.add.f32.msk vm0, v6;
	s20 =	spop (v2sf)  }
0xeb: {  	[tilespmem:v11+s7+$0x0] =	vst.idx.msk vm0, v10;
	s16 =	sadd.s32 s16, s20  }
0xec: {  	s14 =	sadd.s32 $0x10, s16;
	s15 =	sadd.s32 $0x30, s16  }
0xed: {  	v10 =	vadd.s32 s16, v0;
	s20 =	sadd.s32 $0x20, s16;
	s18 =	sadd.s32 $0x40, s16;
	v13 =	vadd.s32 s15, v0;
	s15 =	sadd.s32 $0x7F, s16  }
0xee: {  	v11 =	vadd.s32 s14, v0;
	v12 =	vadd.s32 s20, v0;
	v14 =	vadd.s32 s18, v0;
	s20 =	sadd.s32 $0x60, s16;
	s18 =	sand.u32 $0x7F, s15  }
0xef: {  	v15 =	vadd.s32 s20, v0;
	s20 =	sshra.s32 s15, $0x1F;
	p3 =	slt.s32 s15, $0x1;
	p2 =	sne.s32 s18, $0x0  }
0xf0: {  	s19 =	sadd.s32 $0x50, s16;
	s14 =	sshrl.u32 s20, $0x19;
	p2 =	por !p3, !p2  }
0xf1: {  	s14 =	sadd.s32 s14, s15;
	s15 =	simm.s32 $0x1;
	p2 =	por !p2, !p2  }
0xf2: {  	[tilespmem:v10+s7+$0x0] =	vst.idx.msk $0xffff, v8;
	v10 =	vadd.s32 s19, v0;
	s14 =	sshra.s32 s14, $0x7;
	s15 =	simm.s32 @!p2 $0x0  }
0xf3: {  	s19 =	sadd.s32 $0x70, s16;
	[tilespmem:v11+s7+$0x0] =	vst.idx.msk $0xffff, v8;
	s15 =	ssub.s32 s14, s15  }
0xf4: {  	v11 =	vadd.s32 s19, v0;
	[tilespmem:v12+s7+$0x0] =	vst.idx.msk $0xffff, v8;
	p2 =	slt.s32 s15, $0x1  }
.Ltmp12:
0xf5: {  	[tilespmem:v13+s7+$0x0] =	vst.idx.msk $0xffff, v8;
	(pc) =	sbr.rel @p2 .LBB2_19-.Ltmp12, $4  }
0xf6: {  	[tilespmem:v14+s7+$0x0] =	vst.idx.msk $0xffff, v8  }
0xf7: {  	[tilespmem:v10+s7+$0x0] =	vst.idx.msk $0xffff, v8  }
0xf8: {  	[tilespmem:v15+s7+$0x0] =	vst.idx.msk $0xffff, v8  }
0xf9: {  	s14 =	simm.s32 $0x40;
	[tilespmem:v11+s7+$0x0] =	vst.idx.msk $0xffff, v8  }
0xfa: {  	v10 =	vld [tilespmem:s14+$0xFFFFFFC0];
	_ =	sdelay $0x4  }
0xfb: {  	v11 =	vand.u32 $0x3FFFF, v10  }
0xfc: {  	v10 =	vshrl.u32 v10, $0x12;
	[tilespmem:$0x8100] =	vst v11  }
0xfd: {  	[tilespmem:$0xAD80] =	vst v10  }
0xfe: {  	v10 =	vld [tilespmem:s14+$0xFFFFFFD0];
	_ =	sdelay $0x4  }
0xff: {  	v11 =	vand.u32 $0x3FFFF, v10  }
0x100: {  	v10 =	vshrl.u32 v10, $0x12;
	[tilespmem:$0x8110] =	vst v11  }
0x101: {  	[tilespmem:$0xAD90] =	vst v10  }
0x102: {  	v10 =	vld [tilespmem:s14+$0xFFFFFFE0];
	_ =	sdelay $0x4  }
0x103: {  	v11 =	vand.u32 $0x3FFFF, v10  }
0x104: {  	v10 =	vshrl.u32 v10, $0x12;
	[tilespmem:$0x8120] =	vst v11  }
0x105: {  	[tilespmem:$0xADA0] =	vst v10  }
0x106: {  	v10 =	vld [tilespmem:s14+$0xFFFFFFF0];
	_ =	sdelay $0x4  }
0x107: {  	v11 =	vand.u32 $0x3FFFF, v10  }
0x108: {  	v10 =	vshrl.u32 v10, $0x12;
	[tilespmem:$0x8130] =	vst v11  }
0x109: {  	[tilespmem:$0xADB0] =	vst v10  }
0x10a: {  	v10 =	vld [tilespmem:s14+$0x0];
	_ =	sdelay $0x4  }
0x10b: {  	v11 =	vand.u32 $0x3FFFF, v10  }
0x10c: {  	v10 =	vshrl.u32 v10, $0x12;
	[tilespmem:$0x8140] =	vst v11  }
0x10d: {  	[tilespmem:$0xADC0] =	vst v10  }
0x10e: {  	v10 =	vld [tilespmem:s14+$0x10];
	_ =	sdelay $0x4  }
0x10f: {  	v11 =	vand.u32 $0x3FFFF, v10  }
0x110: {  	v10 =	vshrl.u32 v10, $0x12;
	[tilespmem:$0x8150] =	vst v11  }
0x111: {  	[tilespmem:$0xADD0] =	vst v10  }
0x112: {  	v10 =	vld [tilespmem:s14+$0x20];
	_ =	sdelay $0x4  }
0x113: {  	v11 =	vand.u32 $0x3FFFF, v10  }
0x114: {  	v10 =	vshrl.u32 v10, $0x12;
	[tilespmem:$0x8160] =	vst v11  }
0x115: {  	[tilespmem:$0xADE0] =	vst v10  }
0x116: {  	v10 =	vld [tilespmem:s14+$0x30];
	_ =	sdelay $0x4  }
0x117: {  	p2 =	sne.s32 s15, $0x1;
	v11 =	vand.u32 $0x3FFFF, v10  }
.Ltmp13:
0x118: {  	v10 =	vshrl.u32 v10, $0x12;
	[tilespmem:$0x8170] =	vst v11;
	(pc) =	sbr.rel @!p2 .LBB2_18-.Ltmp13, $4  }
0x119: {  	[tilespmem:$0xADF0] =	vst v10  }
0x11a: {  	[tilespmem:s24], [sflag:$0x1] =	stream.indirect.gather [hbm4b:s0+s26], $0x1, s5, s26, $0xb8;
	[tilespmem:$0x1B0C0] =	vst v63  }
0x11b: {  	_ =	swait.ge [sflag:s22], $0x80  }
0x11c: {  	s15 =	sadd.s32 $0xFFFFFFFF, s15;
	[sflag:s22] =	ssyncset.done $0x0  }
.LBB2_17:
0x11d: {  	p2 =	sne.s32 s15, $0x1;
	[sflag:s22] =	ssyncadd.s32 $0xFFFFFF80;
	s14 =	sadd.s32 $0x80, s14  }
0x11e: {  	[tilespmem:s28], [sflag:$0x2] =	stream.indirect.gather [hbm4b:s4+s26], $0x80, s24, s26, $0xb8;
	[tilespmem:$0x1B0C0] =	vst v63  }
0x11f: {  	s15 =	sadd.s32 $0xFFFFFFFF, s15;
	_ =	swait.ge [sflag:s29], $0x4000  }
0x120: {  	[sflag:s29] =	ssyncset.done $0x0  }
0x121: {  	[sflag:s29] =	ssyncadd.s32 $0xFFFFC000  }
0x122: {  	[spmem:s6] =	stream.indirect.scatter.add.f32 [tilespmem:s28], [sflag:$0x3], $0x80, s8, s26, $0xb8;
	[tilespmem:$0x1B0C0] =	vst v63  }
0x123: {  	_ =	swait.ge [sflag:s25], $0x4000  }
0x124: {  	[sflag:s25] =	ssyncset.done $0x0  }
0x125: {  	[sflag:s25] =	ssyncadd.s32 $0xFFFFC000  }
0x126: {  	v10 =	vld [tilespmem:s14+$0xFFFFFFC0];
	_ =	sdelay $0x4  }
0x127: {  	v11 =	vand.u32 $0x3FFFF, v10;
	v10 =	vshrl.u32 v10, $0x12  }
0x128: {  	[tilespmem:$0x8100] =	vst v11  }
0x129: {  	[tilespmem:$0xAD80] =	vst v10  }
0x12a: {  	v10 =	vld [tilespmem:s14+$0xFFFFFFD0];
	_ =	sdelay $0x4  }
0x12b: {  	v11 =	vand.u32 $0x3FFFF, v10;
	v10 =	vshrl.u32 v10, $0x12  }
0x12c: {  	[tilespmem:$0x8110] =	vst v11  }
0x12d: {  	[tilespmem:$0xAD90] =	vst v10  }
0x12e: {  	v10 =	vld [tilespmem:s14+$0xFFFFFFE0];
	_ =	sdelay $0x4  }
0x12f: {  	v11 =	vand.u32 $0x3FFFF, v10;
	v10 =	vshrl.u32 v10, $0x12  }
0x130: {  	[tilespmem:$0x8120] =	vst v11  }
0x131: {  	[tilespmem:$0xADA0] =	vst v10  }
0x132: {  	v10 =	vld [tilespmem:s14+$0xFFFFFFF0];
	_ =	sdelay $0x4  }
0x133: {  	v11 =	vand.u32 $0x3FFFF, v10;
	v10 =	vshrl.u32 v10, $0x12  }
0x134: {  	[tilespmem:$0x8130] =	vst v11  }
0x135: {  	[tilespmem:$0xADB0] =	vst v10  }
0x136: {  	v10 =	vld [tilespmem:s14+$0x0];
	_ =	sdelay $0x4  }
0x137: {  	v11 =	vand.u32 $0x3FFFF, v10;
	v10 =	vshrl.u32 v10, $0x12  }
0x138: {  	[tilespmem:$0x8140] =	vst v11  }
0x139: {  	[tilespmem:$0xADC0] =	vst v10  }
0x13a: {  	v10 =	vld [tilespmem:s14+$0x10];
	_ =	sdelay $0x4  }
0x13b: {  	v11 =	vand.u32 $0x3FFFF, v10;
	v10 =	vshrl.u32 v10, $0x12  }
0x13c: {  	[tilespmem:$0x8150] =	vst v11  }
0x13d: {  	[tilespmem:$0xADD0] =	vst v10  }
0x13e: {  	v10 =	vld [tilespmem:s14+$0x20];
	_ =	sdelay $0x4  }
0x13f: {  	v11 =	vand.u32 $0x3FFFF, v10;
	v10 =	vshrl.u32 v10, $0x12  }
0x140: {  	[tilespmem:$0x8160] =	vst v11  }
0x141: {  	[tilespmem:$0xADE0] =	vst v10  }
0x142: {  	v10 =	vld [tilespmem:s14+$0x30];
	_ =	sdelay $0x4  }
0x143: {  	v11 =	vand.u32 $0x3FFFF, v10;
	v10 =	vshrl.u32 v10, $0x12  }
.Ltmp14:
0x144: {  	[tilespmem:$0x8170] =	vst v11;
	(pc) =	sbr.rel @p2 .LBB2_17-.Ltmp14, $4  }
0x145: {  	[tilespmem:$0xADF0] =	vst v10  }
0x146: {  	[tilespmem:s24], [sflag:$0x1] =	stream.indirect.gather [hbm4b:s0+s26], $0x1, s5, s26, $0xb8;
	[tilespmem:$0x1B0C0] =	vst v63  }
0x147: {  	_ =	swait.ge [sflag:s22], $0x80  }
0x148: {  	[sflag:s22] =	ssyncset.done $0x0  }
.Ltmp15:
0x149: {  	_ = 	snop;
	(pc) =	sbr.rel .LBB2_18-.Ltmp15, $1  }
0x14a: {  	_ =	sdelay $0x3  }
.LBB2_22:
0x14b: {  	_ =	sfence.sel $0x180000  }
0x14c: {  	[bflag:$0x0] =	sbarrier.arrive $0xFFFF  }
0x14d: {  	_ =	strace $0x90000047  }
0x14e: {  	[bflag:$0x2] =	sbarrier.arrive $0xFFFF  }
0x14f: {  	s0 =	rddreg [dreg:$0x7]  }
0x150: {  	s0 =	sadd.s32 @!p0 $0x100000, s0  }
0x151: {  	[sflag:s0] =	ssyncadd.tile.s32 @!p0 $0x1;
	_ =	shalt  }
.Lfunc_end2:
_tile_overlayer_lowered:
.L_overlay_start_2:
0x152: {  	(tag) =	ssettag $0x2  }
0x153: {  	s0 =	rddreg [dreg:$0x0];
	s2 =	stileid.u32  }
0x154: {  	s1 =	rddreg [dreg:$0x1];
	p0 =	sne.s32 s2, $0x0  }
0x155: {  	s3 =	rddreg [dreg:$0x2];
	[bflag:$0x3] =	sbarrier.arrive $0xFFFF;
	s2 =	simm.s32 @!p0 $0x1C03  }
0x156: {  	[timem:s3], [sflag:s2] =	dma.local @!p0 [hbm:s0], s1  }
0x157: {  	s0 =	simm.s32 @!p0 $0x3  }
0x158: {  	_ =	swait.ge @!p0 [sflag:s0], s1  }
0x159: {  	s1 =	ssub.s32 @!p0 $0x0, s1;
	[sflag:s0] =	ssyncset.done @!p0 $0x0  }
0x15a: {  	[sflag:s0] =	ssyncadd.s32 @!p0 s1  }
0x15b: {  	[bflag:$0x3] =	sbarrier.arrive $0xFFFF  }
0x15c: {  	_ =	shalt  }

// kernel: kernel.9.cloned.1.call-start
scs
__scs_entry_jumppad:
0x0: {  	(pc) =	sbr.rel $0x88, $3  }
0x1: {  	(tag) =	ssettag $0x0;
	lr =	simm.s32 $0x1  }
0x2: {  	[smem:$0x3F91] =	sst lr;
	_ =	strace $0xD0000000  }
0x3: {  	_ = 	snop  }
0x4: {  	_ = 	snop  }
0x5: {  	_ = 	snop  }
0x6: {  	_ = 	snop  }
0x7: {  	_ = 	snop  }
__scs_overlays_trampoline_lowered:
0x8: {  	[smem:$0x3FA0] =	sst s0  }
0x9: {  	[smem:$0x3FA1] =	sst s1  }
0xa: {  	[smem:$0x3FA2] =	sst s2  }
0xb: {  	[smem:$0x3FA3] =	sst s3  }
0xc: {  	[smem:$0x3FA4] =	sst s4  }
0xd: {  	[smem:$0x3FA5] =	sst s5  }
0xe: {  	[smem:$0x3FA6] =	sst s6  }
0xf: {  	[smem:$0x3FA7] =	sst s7  }
0x10: {  	[smem:$0x3FA8] =	sst s8  }
0x11: {  	[smem:$0x3FA9] =	sst s9;
	s0 =	simm.s32 @!p0 $0x0  }
0x12: {  	s1 =	sld [smem:$0x3F8F];
	s0 =	simm.s32 @p0 $0x1  }
0x13: {  	[smem:$0x3FAA] =	sst s0;
	s0 =	simm.s32 @!p1 $0x0  }
0x14: {  	s2 =	sld [smem:$0x3F8E];
	s0 =	simm.s32 @p1 $0x1  }
0x15: {  	[smem:$0x3FAB] =	sst s0;
	s0 =	simm.s32 @!p2 $0x0  }
0x16: {  	s3 =	sld [smem:$0x3FDB];
	s0 =	simm.s32 @p2 $0x1  }
0x17: {  	s4 =	simm.s32 $0x1BF5;
	[smem:$0x3FAD] =	sst s0  }
0x18: {  	s0 =	sld [smem:$0x3F90];
	_ =	swait.ge [sflag:s4], $0x0  }
0x19: {  	s7 =	sld [smem:$0x3F91]  }
0x1a: {  	s8 =	sadd.s32 $0xFFFFE003, lr  }
0x1b: {  	s9 =	sadd.s32 $0xFFFFFEF7, lr;
	s5 =	simm.s32 $0xFFFFFFFF;
	p2 =	slt.u32 s8, $0xFFFFF086  }
0x1c: {  	p1 =	slt.u32 s9, $0xF7A;
	s5 =	simm.s32 @!p2 $0x0  }
0x1d: {  	s5 =	simm.s32 @p1 $0x1;
	p0 =	seq.s32 s7, s2  }
0x1e: {  	s7 =	smul.u32 @!p0 $0xF7A, s2;
	p2 =	seq.s32 @!p0 s5, $0x0  }
0x1f: {  	s9 =	smul.u32 $0xF7A, s1;
	s8 =	simm.s32 @!p0 $0x1BF5;
	p2 =	por !p2, p0  }
0x20: {  	[sflag:s8] =	ssyncset.s32 @!p0 $0xFFFFF086;
	s6 =	sadd.s32 @!p0 s3, s7;
	s7 =	simm.s32 @!p0 $0x108  }
0x21: {  	s3 =	sadd.s32 s3, s9;
	s6 =	sadd.s32 @!p0 $0x88, s6;
	s7 =	simm.s32 @p2 $0x1082  }
0x22: {  	[simem:s7], [sflag:s8] =	dma.local @!p0 [hbm:s6], $0xF7A  }
0x23: {  	s9 =	sor.u32 $0xD0000000, s2;
	s6 =	simm.s32 $0x108;
	_ =	swait.ge @!p0 [sflag:s8], $0x0  }
0x24: {  	s3 =	sadd.s32 $0x88, s3;
	s6 =	simm.s32 @!p1 $0x1082;
	[sflag:s4] =	ssyncset.s32 $0xFFFFF086  }
0x25: {  	[simem:s6], [sflag:s4] =	dma.local [hbm:s3], $0xF7A  }
0x26: {  	[smem:$0x3F91] =	sst s1;
	(tag) =	ssettag s2;
	_ =	strace s9  }
0x27: {  	s1 =	sld [smem:$0x3FA1]  }
0x28: {  	s2 =	sld [smem:$0x3FA2]  }
0x29: {  	s4 =	sld [smem:$0x3FA4]  }
0x2a: {  	p0 =	seq.s32 s5, $0x0;
	s5 =	sld [smem:$0x3FA5]  }
0x2b: {  	s6 =	sld [smem:$0x3FA6]  }
0x2c: {  	s7 =	sld [smem:$0x3FA7]  }
0x2d: {  	s3 =	simm.s32 $0x108;
	s8 =	sld [smem:$0x3FA8]  }
0x2e: {  	s3 =	simm.s32 @!p0 $0x1082;
	s9 =	sld [smem:$0x3FA9]  }
0x2f: {  	lr =	sadd.s32 s0, s3;
	s0 =	sld [smem:$0x3FA0]  }
0x30: {  	s3 =	sld [smem:$0x3FA3]  }
0x31: {  	[smem:$0x3FAC] =	sst s10  }
0x32: {  	s10 =	sld [smem:$0x3FAA];
	_ =	sdelay $0x3  }
0x33: {  	p0 =	seq.s32 s10, $0x1;
	s10 =	sld [smem:$0x3FAC];
	_ =	sdelay $0x3  }
0x34: {  	[smem:$0x3FAC] =	sst s10  }
0x35: {  	s10 =	sld [smem:$0x3FAB];
	_ =	sdelay $0x3  }
0x36: {  	p1 =	seq.s32 s10, $0x1;
	s10 =	sld [smem:$0x3FAC];
	_ =	sdelay $0x3  }
0x37: {  	[smem:$0x3FAC] =	sst s10  }
0x38: {  	s10 =	sld [smem:$0x3FAD]  }
0x39: {  	_ = 	snop;
	(pc) =	sbr.ind lr, $3  }
0x3a: {  	_ = 	snop  }
0x3b: {  	_ = 	snop  }
0x3c: {  	p2 =	seq.s32 s10, $0x1;
	s10 =	sld [smem:$0x3FAC]  }
0x3d: {  	_ =	shalt  }
0x3e: {  	_ =	shalt  }
0x3f: {  	_ =	shalt  }
0x40: {  	_ =	shalt  }
0x41: {  	_ =	shalt  }
0x42: {  	_ =	shalt  }
0x43: {  	_ =	shalt  }
0x44: {  	_ =	shalt  }
0x45: {  	_ =	shalt  }
0x46: {  	_ =	shalt  }
0x47: {  	_ =	shalt  }
0x48: {  	_ =	shalt  }
0x49: {  	_ =	shalt  }
0x4a: {  	_ =	shalt  }
0x4b: {  	_ =	shalt  }
0x4c: {  	_ =	shalt  }
0x4d: {  	_ =	shalt  }
0x4e: {  	_ =	shalt  }
0x4f: {  	_ =	shalt  }
0x50: {  	_ =	shalt  }
0x51: {  	_ =	shalt  }
0x52: {  	_ =	shalt  }
0x53: {  	_ =	shalt  }
0x54: {  	_ =	shalt  }
0x55: {  	_ =	shalt  }
0x56: {  	_ =	shalt  }
0x57: {  	_ =	shalt  }
0x58: {  	_ =	shalt  }
0x59: {  	_ =	shalt  }
0x5a: {  	_ =	shalt  }
0x5b: {  	_ =	shalt  }
0x5c: {  	_ =	shalt  }
0x5d: {  	_ =	shalt  }
0x5e: {  	_ =	shalt  }
0x5f: {  	_ =	shalt  }
0x60: {  	_ =	shalt  }
0x61: {  	_ =	shalt  }
0x62: {  	_ =	shalt  }
0x63: {  	_ =	shalt  }
0x64: {  	_ =	shalt  }
0x65: {  	_ =	shalt  }
0x66: {  	_ =	shalt  }
0x67: {  	_ =	shalt  }
0x68: {  	_ =	shalt  }
0x69: {  	_ =	shalt  }
0x6a: {  	_ =	shalt  }
0x6b: {  	_ =	shalt  }
0x6c: {  	_ =	shalt  }
0x6d: {  	_ =	shalt  }
0x6e: {  	_ =	shalt  }
0x6f: {  	_ =	shalt  }
0x70: {  	_ =	shalt  }
0x71: {  	_ =	shalt  }
0x72: {  	_ =	shalt  }
0x73: {  	_ =	shalt  }
0x74: {  	_ =	shalt  }
0x75: {  	_ =	shalt  }
0x76: {  	_ =	shalt  }
0x77: {  	_ =	shalt  }
0x78: {  	_ =	shalt  }
0x79: {  	_ =	shalt  }
0x7a: {  	_ =	shalt  }
0x7b: {  	_ =	shalt  }
0x7c: {  	_ =	shalt  }
0x7d: {  	_ =	shalt  }
0x7e: {  	_ =	shalt  }
0x7f: {  	_ =	shalt  }
0x80: {  	_ =	shalt  }
0x81: {  	_ =	shalt  }
0x82: {  	_ =	shalt  }
0x83: {  	_ =	shalt  }
0x84: {  	_ =	shalt  }
0x85: {  	_ =	shalt  }
0x86: {  	_ =	shalt  }
0x87: {  	_ =	shalt  }
.Lfunc_end0:
.L_simem_size_0:
called_computation.1_lowered:
.L_overlay_start_0:
0x88: {  	s2 =	sld [smem:$0x3FD9]  }
0x89: {  	s3 =	sld [smem:$0x3FFE];
	_ =	sdelay $0x1  }
0x8a: {  	s1 =	srdreg.scid  }
0x8b: {  	s0 =	sand.u32 $0x1, s1  }
0x8c: {  	s17 =	sshll.u32 s0, $0xA;
	s2 =	sadd.s32 s3, s2  }
0x8d: {  	s2 =	sadd.s32 s2, s17  }
0x8e: {  	[smem:$0x3FB8] =	sst s2  }
0x8f: {  	_ = 	snop  }
0x90: {  	s2 =	sld [smem:$0x3FC6]  }
0x91: {  	s18 =	sld [smem:$0x3FC5]  }
0x92: {  	s4 =	sld [smem:$0x3FD0];
	(tm) =	ssettm $0x1  }
0x93: {  	s5 =	sld [smem:$0x3FFB];
	_ =	sdelay $0x3  }
0x94: {  	_ =	strace s5  }
0x95: {  	s5 =	sld [smem:$0x3FFC];
	_ =	sdelay $0x3  }
0x96: {  	_ =	strace s5  }
0x97: {  	s5 =	sld [smem:$0x3FFD];
	_ =	sdelay $0x3  }
0x98: {  	_ =	strace s5  }
0x99: {  	_ =	strace $0x8FFFFFFF  }
0x9a: {  	s19 =	sld [smem:$0x3FDB];
	_ =	sdelay $0x1  }
0x9b: {  	s6 =	simm.s32 $_scs_section_size  }
0x9c: {  	s7 =	simm.s32 $_size__tile_overlayer_lowered;
	s8 =	simm.s32 $_tile_overlayer_lowered  }
0x9d: {  	s22 =	simm.s32 $0x1BFF;
	s21 =	sshll.u32 s8, $0x1;
	s5 =	sadd.s32 s6, s19  }
0x9e: {  	s9 =	simm.s32 $0x0;
	s20 =	sshll.u32 s7, $0x1;
	s7 =	sadd.s32 s21, s5  }
0x9f: {  	[timem:s9], [sflag:s22] =	dma.local [hbm:s7], s20  }
0xa0: {  	_ =	swait.ge [sflag:s22], s20  }
0xa1: {  	s6 =	ssub.s32 $0x0, s20;
	[sflag:s22] =	ssyncset.done $0x0  }
0xa2: {  	[sflag:s22] =	ssyncadd.s32 s6;
	_ =	sdelay $0x1  }
0xa3: {  	s23 =	simm.s32 $0x1B8B  }
0xa4: {  	_ =	swait.ge [sflag:s23], $0x1  }
0xa5: {  	[sflag:s23] =	ssyncset.done $0x0  }
0xa6: {  	s25 =	simm.s32 $0x1B8E;
	s24 =	sld [smem:$0x3FFE];
	[sflag:s23] =	ssyncadd.s32 $0xFFFFFFFF  }
0xa7: {  	s26 =	simm.s32 $execute0_lowered;
	[smem:$0x3FD2] =	sst s25  }
0xa8: {  	s7 =	sshll.u32 s26, $0x1;
	_ =	strace $0x80000049;
	[dreg:$0x1] =	wrdreg $0xFFFFFFFF  }
0xa9: {  	s28 =	simm.s32 $_size_execute0_lowered;
	s5 =	sadd.s32 s5, s7;
	[dreg:$0x0] =	wrdreg $0x0  }
0xaa: {  	s7 =	sshll.u32 s28, $0x1;
	[dreg:$0x2] =	wrdreg s5  }
0xab: {  	[dreg:$0x3] =	wrdreg s7  }
0xac: {  	[dreg:$0x4] =	wrdreg $0xC0  }
0xad: {  	_ =	task [dreg:s9], $0x5FFFF  }
0xae: {  	[dreg:$0x1] =	wrdreg $0xFFFFFFFF  }
0xaf: {  	[dreg:$0x0] =	wrdreg $0x60  }
0xb0: {  	[dreg:$0x2] =	wrdreg s24  }
0xb1: {  	[dreg:$0x3] =	wrdreg s2  }
0xb2: {  	[dreg:$0x4] =	wrdreg s18  }
0xb3: {  	[dreg:$0x5] =	wrdreg s4  }
0xb4: {  	[dreg:$0x6] =	wrdreg $0x65000  }
0xb5: {  	[dreg:$0x7] =	wrdreg $0x9  }
0xb6: {  	_ =	task.clear_ibuf [dreg:s9], $0x8FFFF;
	_ =	strace $0x90000049  }
0xb7: {  	s29 =	simm.s32 $0x9;
	_ =	strace $0x8000004B  }
0xb8: {  	_ =	swait.ge [sflag:s29], $0x1  }
0xb9: {  	[sflag:s29] =	ssyncadd.s32 $0xFFFFFFFF  }
0xba: {  	_ =	strace $0x9000004B  }
0xbb: {  	_ =	sfence  }
0xbc: {  	s30 =	sld [smem:$0x0];
	_ =	sdelay $0x2  }
0xbd: {  	s31 =	sshll.u32 s1, $0xD;
	s1 =	sshrl.u32 s1, $0x2  }
0xbe: {  	s3 =	sand.u32 $0x4000, s31;
	s1 =	sadd.s32 s1, s30  }
0xbf: {  	s0 =	sor.u32 s3, s0;
	s1 =	sshll.u32 s1, $0x11  }
0xc0: {  	s0 =	sor.u32 s1, s0  }
0xc1: {  	s0 =	sadd.s32 $0x8F2B, s0  }
0xc2: {  	[sflag:s0] =	ssyncadd.remote.s32 $0x1  }
0xc3: {  	_ =	sfence.sel $0xFFFF  }
0xc4: {  	[dreg:$0x0] =	wrdreg $0xFFFFFFFF;
	(pc) =	sbr.abs _section_cstart, $3  }
0xc5: {  	[dreg:$0x1] =	wrdreg $0xFFFFFFFF  }
0xc6: {  	_ =	task.clear_ibuf [dreg:s9], $0x2FFFF;
	_ =	strace $0x9FFFFFFF  }
0xc7: {  	(tm) =	ssettm $0x7FFFFFFF  }
tec
execute0_lowered:
.L_overlay_start_1:
0x0: {  	(tag) =	ssettag $0x1  }
0x1: {  	s5 =	rddreg [dreg:$0x0]  }
0x2: {  	s6 =	rddreg [dreg:$0x1]  }
0x3: {  	s7 =	rddreg [dreg:$0x2]  }
0x4: {  	s9 =	rddreg [dreg:$0x3]  }
0x5: {  	s1 =	rddreg [dreg:$0x4]  }
0x6: {  	s0 =	rddreg [dreg:$0x5];
	s2 =	simm.s32 $0x0  }
0x7: {  	s3 =	stileid.u32;
	s4 =	srdreg.scid;
	s15 =	simm.s32 $0x6000  }
0x8: {  	s16 =	simm.s32 $0x2;
	s17 =	simm.s32 $0x800;
	s18 =	simm.s32 $0x5000  }
0x9: {  	s19 =	simm.s32 $0x80;
	s20 =	simm.s32 $0x1000;
	s21 =	simm.s32 $0x1  }
0xa: {  	s22 =	simm.s32 $0x6400;
	s23 =	simm.s32 $0x20;
	s24 =	simm.s32 $0x6480  }
0xb: {  	[smem:$0x7FF] =	sst s2;
	s8 =	sshll.u32 s3, $0xC;
	s10 =	sand.u32 $0x1, s4  }
0xc: {  	s4 =	sadd.s32 $0x302600, s5;
	s13 =	sshll.u32 s3, $0x8;
	s30 =	sshll.u32 s3, $0xF  }
0xd: {  	s14 =	sadd.s32 $0x80C00, s1;
	p0 =	sne.s32 s3, $0x0;
	_ =	strace $0x8000004A  }
0xe: {  	s8 =	sadd.s32 s8, s5;
	s29 =	ssub.s32 $0x2, s10;
	s12 =	sshll.u32 s10, $0xC  }
0xf: {  	s5 =	sadd.s32 s30, s1;
	s31 =	sshll.u32 s10, $0x10;
	s10 =	sshll.u32 s10, $0x9  }
0x10: {  	s11 =	sshrl.u32 s29, $0x1;
	s12 =	sor.u32 s13, s12;
	s8 =	sadd.s32 s31, s8  }
0x11: {  	s9 =	sadd.s32 s9, s10;
	s10 =	sadd.s32 $0x80000, s1;
	s13 =	sadd.s32 $0x80800, s1  }
0x12: {  	v0 =	vimm.f32 $0.0e+00;
	v2 =	vlaneseq.u32;
	s11 =	ssub.s32 s29, s11;
	s6 =	sadd.s32 s6, s12;
	s7 =	sadd.s32 s7, s12  }
0x13: {  	v3 =	vimm.f32 $1.000000000e+00;
	v1 =	vor.u32 $0x1000, v2;
	v2 =	vor.u32 $0x1010, v2;
	s8 =	sadd.s32 $0x2600, s8;
	s12 =	sadd.s32 $0x80400, s1;
	s11 =	smax.u32 s11, $0x1  }
.LBB2_1:
0x14: {  	s25 =	simm.s32 $0x0;
	s26 =	simm.s32 $0x0  }
.LBB2_2:
0x15: {  	p1 =	sne.s32 s26, $0xFC0  }
.Ltmp0:
0x16: {  	_ = 	snop;
	(pc) =	sbr.rel @p1 .LBB2_2-.Ltmp0, $4  }
0x17: {  	s28 =	sand.u32 $0xE00, s26  }
0x18: {  	s29 =	sand.u32 $0x70, s25;
	s28 =	sshrl.u32 s28, $0x2  }
0x19: {  	s28 =	sor.u32 s29, s28  }
0x1a: {  	s25 =	sadd.s32 $0x10, s25;
	s26 =	sadd.s32 $0x40, s26;
	[tilespmem:s28+$0x6000] =	vst v0  }
0x1b: {  	s25 =	simm.s32 $0x0  }
0x1c: {  	s26 =	sand.u32 $0x3E00, s25  }
0x1d: {  	s28 =	sand.u32 $0x70, s25;
	s29 =	sshrl.u32 s26, $0x2  }
0x1e: {  	s26 =	simm.s32 $0x40;
	s28 =	sor.u32 s28, s29  }
.LBB2_4:
0x1f: {  	p1 =	sne.s32 s26, $0x3FC0  }
0x20: {  	[tilespmem:s28+$0x5000] =	vst v0;
	s25 =	sadd.s32 $0x10, s25;
	s28 =	smov.u32 s26;
	s26 =	sadd.s32 $0x40, s26  }
.Ltmp1:
0x21: {  	(pc) =	sbr.rel @p1 .LBB2_4-.Ltmp1, $4  }
0x22: {  	_ = 	snop  }
0x23: {  	s28 =	sand.u32 $0x3E00, s28  }
0x24: {  	s29 =	sand.u32 $0x70, s25;
	s28 =	sshrl.u32 s28, $0x2  }
0x25: {  	s28 =	sor.u32 s29, s28  }
0x26: {  	[tilespmem:s28+$0x5000] =	vst v0  }
0x27: {  	[tilespmem:$0x6480] =	vst v1  }
0x28: {  	s25 =	sadd.s32 $0x0, s5;
	[tilespmem:$0x6490] =	vst v2  }
0x29: {  	[spmem:s25] =	stream.linear.scatter [tilespmem:s15], [sflag:$0x2], $0x400, $0x38;
	[tilespmem:$0xE600] =	vst v63  }
0x2a: {  	s25 =	simm.s32 $0x1000;
	_ =	swait.ge [sflag:s16], $0x400  }
.LBB2_6:
0x2b: {  	s26 =	sshra.s32 s25, $0x2;
	[sflag:s16] =	ssyncset.done $0x0;
	p1 =	sne.s32 s25, $0x1F000  }
.Ltmp2:
0x2c: {  	s26 =	sadd.s32 s26, s5;
	[sflag:s16] =	ssyncadd.s32 $0xFFFFFC00;
	(pc) =	sbr.rel @p1 .LBB2_6-.Ltmp2, $3  }
0x2d: {  	[spmem:s26] =	stream.linear.scatter [tilespmem:s15], [sflag:$0x2], $0x400, $0x38;
	[tilespmem:$0xE600] =	vst v63  }
0x2e: {  	s25 =	sadd.s32 $0x1000, s25;
	_ =	sdelay $0x1  }
0x2f: {  	_ =	swait.ge [sflag:s16], $0x400  }
0x30: {  	[sflag:s16] =	ssyncset.done $0x0  }
0x31: {  	s25 =	simm.s32 @!p0 $0x6000;
	s26 =	simm.s32 @!p0 $0x2;
	[sflag:s16] =	ssyncadd.s32 $0xFFFFFC00  }
0x32: {  	[spmem:s10] =	stream.linear.scatter @!p0 [tilespmem:s25], [sflag:$0x2], $0x400, $0x38;
	[tilespmem:$0xE600] =	vst v63  }
0x33: {  	_ =	swait.ge @!p0 [sflag:s26], $0x400  }
0x34: {  	[sflag:s26] =	ssyncset.done @!p0 $0x0  }
0x35: {  	[sflag:s26] =	ssyncadd.s32 @!p0 $0xFFFFFC00  }
0x36: {  	[spmem:s12] =	stream.linear.scatter @!p0 [tilespmem:s25], [sflag:$0x2], $0x400, $0x38;
	[tilespmem:$0xE600] =	vst v63  }
0x37: {  	_ =	swait.ge @!p0 [sflag:s26], $0x400  }
0x38: {  	[sflag:s26] =	ssyncset.done @!p0 $0x0  }
0x39: {  	[sflag:s26] =	ssyncadd.s32 @!p0 $0xFFFFFC00  }
0x3a: {  	[spmem:s13] =	stream.linear.scatter @!p0 [tilespmem:s25], [sflag:$0x2], $0x400, $0x38;
	[tilespmem:$0xE600] =	vst v63  }
0x3b: {  	_ =	swait.ge @!p0 [sflag:s26], $0x400  }
0x3c: {  	[sflag:s26] =	ssyncset.done @!p0 $0x0  }
0x3d: {  	[sflag:s26] =	ssyncadd.s32 @!p0 $0xFFFFFC00  }
0x3e: {  	[spmem:s14] =	stream.linear.scatter @!p0 [tilespmem:s25], [sflag:$0x2], $0x400, $0x38;
	[tilespmem:$0xE600] =	vst v63  }
0x3f: {  	_ =	swait.ge @!p0 [sflag:s26], $0x400  }
0x40: {  	[sflag:s26] =	ssyncset.done @!p0 $0x0  }
0x41: {  	[sflag:s26] =	ssyncadd.s32 @!p0 $0xFFFFFC00  }
0x42: {  	s31 =	simm.s32 $0x0;
	[bflag:$0x0] =	sbarrier.arrive $0xFFFF  }
0x43: {  	[tilespmem:s31], [sflag:$0x2] =	stream.linear.gather [hbm4b:s6+s31], $0x800, $0x38;
	[tilespmem:$0xE600] =	vst v63  }
0x44: {  	_ =	swait.ge [sflag:s16], $0x800  }
0x45: {  	[sflag:s16] =	ssyncset.done $0x0  }
0x46: {  	[sflag:s16] =	ssyncadd.s32 $0xFFFFF800  }
0x47: {  	[tilespmem:s17], [sflag:$0x2] =	stream.linear.gather [hbm4b:s7+s31], $0x800, $0x38;
	[tilespmem:$0xE600] =	vst v63  }
0x48: {  	_ =	swait.ge [sflag:s16], $0x800  }
0x49: {  	[sflag:s16] =	ssyncset.done $0x0  }
0x4a: {  	s25 =	simm.s32 $0x40;
	s26 =	simm.s32 $0x0;
	[sflag:s16] =	ssyncadd.s32 $0xFFFFF800  }
.LBB2_8:
0x4b: {  	p1 =	sne.s32 s25, $0x1FC0;
	v4 =	vld [tilespmem:s26+$0x800];
	_ =	sdelay $0x3  }
.Ltmp3:
0x4c: {  	(pc) =	sbr.rel @p1 .LBB2_8-.Ltmp3, $2  }
0x4d: {  	_ =	sdelay $0x2  }
0x4e: {  	s26 =	sshra.s32 s25, $0x2;
	s25 =	sadd.s32 $0x40, s25;
	[tilespmem:v4+s18+$0x0] =	vst.idx.add.f32.msk $0xffff, v3  }
0x4f: {  	v4 =	vld [tilespmem:s26+$0x800];
	_ =	sdelay $0x7  }
0x50: {  	s25 =	simm.s32 $0x0;
	[tilespmem:v4+s18+$0x0] =	vst.idx.add.f32.msk $0xffff, v3  }
0x51: {  	[tilespmem:s20], [sflag:$0x1] =	stream.indirect.gather [hbm4b:s4+s19], $0x80, s25, s19, $0xb8;
	[tilespmem:$0xE600] =	vst v63  }
0x52: {  	_ =	swait.ge [sflag:s21], $0x4000  }
0x53: {  	[sflag:s21] =	ssyncset.done $0x0  }
0x54: {  	[sflag:s21] =	ssyncadd.s32 $0xFFFFC000  }
0x55: {  	v4 =	vld [tilespmem:s25+$0x800];
	_ =	sdelay $0x4  }
0x56: {  	[tilespmem:$0x6400] =	vst v4  }
0x57: {  	v4 =	vld [tilespmem:s25+$0x810];
	_ =	sdelay $0x4  }
0x58: {  	[tilespmem:$0x6410] =	vst v4  }
0x59: {  	v4 =	vld [tilespmem:s25+$0x820];
	_ =	sdelay $0x4  }
0x5a: {  	[tilespmem:$0x6420] =	vst v4  }
0x5b: {  	v4 =	vld [tilespmem:s25+$0x830];
	_ =	sdelay $0x4  }
0x5c: {  	[tilespmem:$0x6430] =	vst v4  }
0x5d: {  	v4 =	vld [tilespmem:s25+$0x840];
	_ =	sdelay $0x4  }
0x5e: {  	[tilespmem:$0x6440] =	vst v4  }
0x5f: {  	v4 =	vld [tilespmem:s25+$0x850];
	_ =	sdelay $0x4  }
0x60: {  	[tilespmem:$0x6450] =	vst v4  }
0x61: {  	v4 =	vld [tilespmem:s25+$0x860];
	_ =	sdelay $0x4  }
0x62: {  	[tilespmem:$0x6460] =	vst v4  }
0x63: {  	v4 =	vld [tilespmem:s25+$0x870];
	_ =	sdelay $0x4  }
0x64: {  	[tilespmem:$0x6470] =	vst v4  }
0x65: {  	[spmem:s1] =	stream.indirect.scatter.add.f32 [tilespmem:s20], [sflag:$0x2], $0x80, s22, s19, $0xb8;
	[tilespmem:$0xE600] =	vst v63  }
0x66: {  	_ =	swait.ge [sflag:s16], $0x4000  }
0x67: {  	s29 =	simm.s32 $0x400;
	s25 =	simm.s32 $0x200;
	[sflag:s16] =	ssyncset.done $0x0  }
.LBB2_10:
0x68: {  	s28 =	sshra.s32 s25, $0x2  }
0x69: {  	[sflag:s16] =	ssyncadd.s32 $0xFFFFC000;
	s25 =	smov.u32 s29;
	s26 =	sadd.s32 $0x200, s29  }
0x6a: {  	[tilespmem:s20], [sflag:$0x1] =	stream.indirect.gather [hbm4b:s4+s19], $0x80, s28, s19, $0xb8;
	[tilespmem:$0xE600] =	vst v63  }
0x6b: {  	p1 =	sne.s32 s29, $0x1E00;
	_ =	swait.ge [sflag:s21], $0x4000  }
0x6c: {  	[sflag:s21] =	ssyncset.done $0x0  }
0x6d: {  	[sflag:s21] =	ssyncadd.s32 $0xFFFFC000  }
0x6e: {  	v4 =	vld [tilespmem:s28+$0x800];
	_ =	sdelay $0x4  }
0x6f: {  	[tilespmem:$0x6400] =	vst v4  }
0x70: {  	v4 =	vld [tilespmem:s28+$0x810];
	_ =	sdelay $0x4  }
0x71: {  	[tilespmem:$0x6410] =	vst v4  }
0x72: {  	v4 =	vld [tilespmem:s28+$0x820];
	_ =	sdelay $0x4  }
0x73: {  	[tilespmem:$0x6420] =	vst v4  }
0x74: {  	v4 =	vld [tilespmem:s28+$0x830];
	_ =	sdelay $0x4  }
0x75: {  	[tilespmem:$0x6430] =	vst v4  }
0x76: {  	v4 =	vld [tilespmem:s28+$0x840];
	_ =	sdelay $0x4  }
0x77: {  	[tilespmem:$0x6440] =	vst v4  }
0x78: {  	v4 =	vld [tilespmem:s28+$0x850];
	_ =	sdelay $0x4  }
0x79: {  	[tilespmem:$0x6450] =	vst v4  }
0x7a: {  	v4 =	vld [tilespmem:s28+$0x860];
	_ =	sdelay $0x4  }
0x7b: {  	[tilespmem:$0x6460] =	vst v4  }
0x7c: {  	v4 =	vld [tilespmem:s28+$0x870];
	_ =	sdelay $0x3  }
.Ltmp4:
0x7d: {  	(pc) =	sbr.rel @p1 .LBB2_10-.Ltmp4, $4  }
0x7e: {  	[tilespmem:$0x6470] =	vst v4  }
0x7f: {  	[spmem:s1] =	stream.indirect.scatter.add.f32 [tilespmem:s20], [sflag:$0x2], $0x80, s22, s19, $0xb8;
	[tilespmem:$0xE600] =	vst v63  }
0x80: {  	_ =	swait.ge [sflag:s16], $0x4000  }
0x81: {  	s29 =	smov.u32 s26;
	[sflag:s16] =	ssyncset.done $0x0  }
0x82: {  	s25 =	sshra.s32 s25, $0x2;
	[sflag:s16] =	ssyncadd.s32 $0xFFFFC000  }
0x83: {  	[tilespmem:s20], [sflag:$0x1] =	stream.indirect.gather [hbm4b:s4+s19], $0x80, s25, s19, $0xb8;
	[tilespmem:$0xE600] =	vst v63  }
0x84: {  	_ =	swait.ge [sflag:s21], $0x4000  }
0x85: {  	[sflag:s21] =	ssyncset.done $0x0  }
0x86: {  	[sflag:s21] =	ssyncadd.s32 $0xFFFFC000  }
0x87: {  	v4 =	vld [tilespmem:s25+$0x800];
	_ =	sdelay $0x4  }
0x88: {  	[tilespmem:$0x6400] =	vst v4  }
0x89: {  	v4 =	vld [tilespmem:s25+$0x810];
	_ =	sdelay $0x4  }
0x8a: {  	[tilespmem:$0x6410] =	vst v4  }
0x8b: {  	v4 =	vld [tilespmem:s25+$0x820];
	_ =	sdelay $0x4  }
0x8c: {  	[tilespmem:$0x6420] =	vst v4  }
0x8d: {  	v4 =	vld [tilespmem:s25+$0x830];
	_ =	sdelay $0x4  }
0x8e: {  	[tilespmem:$0x6430] =	vst v4  }
0x8f: {  	v4 =	vld [tilespmem:s25+$0x840];
	_ =	sdelay $0x4  }
0x90: {  	[tilespmem:$0x6440] =	vst v4  }
0x91: {  	v4 =	vld [tilespmem:s25+$0x850];
	_ =	sdelay $0x4  }
0x92: {  	[tilespmem:$0x6450] =	vst v4  }
0x93: {  	v4 =	vld [tilespmem:s25+$0x860];
	_ =	sdelay $0x4  }
0x94: {  	[tilespmem:$0x6460] =	vst v4  }
0x95: {  	v4 =	vld [tilespmem:s25+$0x870];
	_ =	sdelay $0x4  }
0x96: {  	[tilespmem:$0x6470] =	vst v4  }
0x97: {  	[spmem:s1] =	stream.indirect.scatter.add.f32 [tilespmem:s20], [sflag:$0x2], $0x80, s22, s19, $0xb8;
	[tilespmem:$0xE600] =	vst v63  }
0x98: {  	_ =	swait.ge [sflag:s16], $0x4000  }
0x99: {  	[sflag:s16] =	ssyncset.done $0x0  }
0x9a: {  	[sflag:s16] =	ssyncadd.s32 $0xFFFFC000  }
0x9b: {  	[spmem:s1] =	stream.indirect.scatter.add.f32 [tilespmem:s18], [sflag:$0x2], $0x80, s24, s23, $0xb8;
	[tilespmem:$0xE600] =	vst v63  }
0x9c: {  	_ =	swait.ge [sflag:s16], $0x1000  }
0x9d: {  	[sflag:s16] =	ssyncset.done $0x0  }
0x9e: {  	s31 =	sshll.u32 s3, $0x6;
	[sflag:s16] =	ssyncadd.s32 $0xFFFFF000  }
0x9f: {  	s26 =	sshrl.u32 s5, $0x3;
	s25 =	sor.u32 $0x1C02, s31;
	[bflag:$0x0] =	sbarrier.arrive $0xFFFF  }
0xa0: {  	[hbm:s8], [sflag:s25] =	dma.local [spmem:s26], $0x1000  }
0xa1: {  	_ =	swait.ge [sflag:s16], $0x1000  }
0xa2: {  	s2 =	sadd.s32 $0x1, s2;
	[sflag:s16] =	ssyncset.done $0x0  }
0xa3: {  	p1 =	sne.s32 s2, s11;
	s26 =	sshrl.u32 @!p0 s10, $0x3;
	[sflag:s16] =	ssyncadd.s32 $0xFFFFF000  }
0xa4: {  	[hbm:s9], [sflag:s25] =	dma.local @!p0 [spmem:s26], $0x200  }
.Ltmp5:
0xa5: {  	_ = 	snop;
	(pc) =	sbr.rel @p1 .LBB2_1-.Ltmp5, $4  }
0xa6: {  	s25 =	simm.s32 @!p0 $0x2  }
0xa7: {  	_ =	swait.ge @!p0 [sflag:s25], $0x200  }
0xa8: {  	[sflag:s25] =	ssyncset.done @!p0 $0x0  }
0xa9: {  	[sflag:s25] =	ssyncadd.s32 @!p0 $0xFFFFFE00  }
0xaa: {  	_ =	sfence.sel $0x180000  }
0xab: {  	[bflag:$0x0] =	sbarrier.arrive $0xFFFF  }
0xac: {  	_ =	strace $0x9000004A  }
0xad: {  	s0 =	sadd.s32 @!p0 $0x100000, s0;
	[bflag:$0x2] =	sbarrier.arrive $0xFFFF  }
0xae: {  	[sflag:s0] =	ssyncadd.tile.s32 @!p0 $0x1;
	_ =	shalt  }
.Lfunc_end2:
_tile_overlayer_lowered:
.L_overlay_start_2:
0xaf: {  	(tag) =	ssettag $0x2  }
0xb0: {  	s0 =	rddreg [dreg:$0x0];
	s2 =	stileid.u32  }
0xb1: {  	s1 =	rddreg [dreg:$0x1];
	p0 =	sne.s32 s2, $0x0  }
0xb2: {  	s3 =	rddreg [dreg:$0x2];
	[bflag:$0x3] =	sbarrier.arrive $0xFFFF;
	s2 =	simm.s32 @!p0 $0x1C02  }
0xb3: {  	[timem:s3], [sflag:s2] =	dma.local @!p0 [hbm:s0], s1  }
0xb4: {  	s0 =	simm.s32 @!p0 $0x2  }
0xb5: {  	_ =	swait.ge @!p0 [sflag:s0], s1  }
0xb6: {  	s1 =	ssub.s32 @!p0 $0x0, s1;
	[sflag:s0] =	ssyncset.done @!p0 $0x0  }
0xb7: {  	[sflag:s0] =	ssyncadd.s32 @!p0 s1  }
0xb8: {  	[bflag:$0x3] =	sbarrier.arrive $0xFFFF  }
0xb9: {  	_ =	shalt  }

</sc_bundles>
